<compile_context>
chip_gen: v7x
topology: tpu7x:2x2x1
jax: 0.10.2.dev20260603
libtpu: 0.0.44.dev20260713+nightly
codegen_flags: <defaults>
</compile_context>

<pallas_src>
import functools

import jax
import jax.numpy as jnp
from jax import lax
from jax.experimental import pallas as pl
from jax.experimental.pallas import tpu as pltpu
from jax.experimental.pallas import tpu_sc as plsc

N = 10000
E = 320000
D = 128
H = 128
G = 64

NC = 2
NS = 16
NW = NC * NS
LN = 128
NBUF = 2
NIDX = 4
CHUNKS = 80
EPT = CHUNKS * LN
EPAD = NW * EPT
DEG_N = 10240
DUMMY = N
ROWS_Z = DEG_N // NS

def _sc_prep_body(src3, dst3, zeros1, deg_parts, dstp3, src_v, dst_v, dstp_v,
                  deg_v):
    c = lax.axis_index("c")
    s = lax.axis_index("s")
    wid = s * NC + c
    pltpu.sync_copy(src3.at[wid], src_v)
    pltpu.sync_copy(dst3.at[wid], dst_v)
    pltpu.sync_copy(zeros1, deg_v)
    ones = jnp.full((16,), 1.0, dtype=jnp.float32)

    def body(j, _):
        for k in range(LN // 16):
            sv = src_v[j, pl.ds(k * 16, 16)]
            dv = dst_v[j, pl.ds(k * 16, 16)]
            bad = (sv == dv) | (dv >= N)
            sp = jnp.where(bad, DUMMY, sv)
            dp = jnp.where(bad, DUMMY, dv)
            dstp_v[j, pl.ds(k * 16, 16)] = dp
            plsc.addupdate_scatter(deg_v, [sp], ones)
        return 0

    lax.fori_loop(0, CHUNKS, body, 0)
    pltpu.sync_copy(deg_v, deg_parts.at[wid])
    pltpu.sync_copy(dstp_v, dstp3.at[wid])


@functools.cache
def _sc_prep():
    mesh = plsc.VectorSubcoreMesh(core_axis_name="c", subcore_axis_name="s",
                                  num_cores=NC, num_subcores=NS)
    return pl.kernel(
        _sc_prep_body,
        out_type=[
            jax.ShapeDtypeStruct((NW, DEG_N), jnp.float32),
            jax.ShapeDtypeStruct((NW, CHUNKS, LN), jnp.int32),
        ],
        mesh=mesh,
        compiler_params=pltpu.CompilerParams(needs_layout_passes=False),
        scratch_types=[
            pltpu.VMEM((CHUNKS, LN), jnp.int32),
            pltpu.VMEM((CHUNKS, LN), jnp.int32),
            pltpu.VMEM((CHUNKS, LN), jnp.int32),
            pltpu.VMEM((DEG_N,), jnp.float32),
        ],
    )


def _sc_conv_body(y, src3, dstp3, zeros2, parts, src_v, r0, r1, didx,
                  semg, semi, acc_sh):
    rows = [r0, r1]
    c = lax.axis_index("c")
    s = lax.axis_index("s")
    wid = s * NC + c
    pltpu.sync_copy(src3.at[wid], src_v)
    pltpu.sync_copy(zeros2.at[pl.ds(s * ROWS_Z, ROWS_Z)],
                    acc_sh.at[pl.ds(s * ROWS_Z, ROWS_Z)])
    for i in range(NIDX):
        pltpu.async_copy(dstp3.at[wid, i], didx.at[i], semi.at[i])
    for b in range(NBUF):
        pltpu.async_copy(y.at[src_v.at[b]], rows[b], semg.at[b])
    plsc.subcore_barrier()

    def body(t, _):
        base = t * NBUF
        for b in range(NBUF):
            j = base + b
            i = j % NIDX
            pltpu.make_async_copy(y.at[src_v.at[j]], rows[b],
                                  semg.at[b]).wait()
            pltpu.make_async_copy(dstp3.at[wid, j], didx.at[i],
                                  semi.at[i]).wait()
            pltpu.sync_copy(rows[b], acc_sh.at[didx.at[i]], add=True)

            @pl.when(j + NIDX < CHUNKS)
            def _():
                pltpu.async_copy(dstp3.at[wid, j + NIDX], didx.at[i],
                                 semi.at[i])

            @pl.when(j + NBUF < CHUNKS)
            def _():
                pltpu.async_copy(y.at[src_v.at[j + NBUF]], rows[b],
                                 semg.at[b])
        return 0

    lax.fori_loop(0, CHUNKS // NBUF, body, 0)
    plsc.subcore_barrier()
    pltpu.sync_copy(acc_sh.at[pl.ds(s * ROWS_Z, ROWS_Z)],
                    parts.at[c, pl.ds(s * ROWS_Z, ROWS_Z)])


@functools.cache
def _sc_conv():
    mesh = plsc.VectorSubcoreMesh(core_axis_name="c", subcore_axis_name="s",
                                  num_cores=NC, num_subcores=NS)
    return pl.kernel(
        _sc_conv_body,
        out_type=jax.ShapeDtypeStruct((NC, DEG_N, H), jnp.float32),
        mesh=mesh,
        compiler_params=pltpu.CompilerParams(needs_layout_passes=False),
        scratch_types=[
            pltpu.VMEM((CHUNKS, LN), jnp.int32),
            pltpu.VMEM((LN, H), jnp.float32),
            pltpu.VMEM((LN, H), jnp.float32),
            pltpu.VMEM((NIDX, LN), jnp.int32),
            pltpu.SemaphoreType.DMA((NBUF,)),
            pltpu.SemaphoreType.DMA((NIDX,)),
            pltpu.VMEM_SHARED((DEG_N, H), jnp.float32),
        ],
    )


def _tc_pre_body(deg_ref, x_ref, w0_ref, w1_ref, b1_ref, dis_ref, y1_ref,
                 xw0_ref):
    deg = jnp.sum(deg_ref[...], axis=0)[:N, None]
    dis = jnp.where(deg > 0, 1.0 / jnp.sqrt(deg), 0.0)
    dis_ref[...] = dis
    x = x_ref[...]
    y1_ref[...] = dis * jnp.dot(x, w1_ref[...],
                                preferred_element_type=jnp.float32)
    xw0_ref[...] = jnp.dot(x, w0_ref[...],
                           preferred_element_type=jnp.float32) + b1_ref[...]


def _tc_mid_body(parts_ref, dis_ref, xw0_ref, gamma_ref, beta_ref,
                 w20_ref, w21_ref, b2_ref, y2_ref, hw0_ref):
    dis = dis_ref[...]
    h = xw0_ref[...] - dis * (parts_ref[0, :N] + parts_ref[1, :N])
    mean = jnp.mean(h, axis=0, keepdims=True)
    var = jnp.mean((h - mean) ** 2, axis=0, keepdims=True)
    h = (h - mean) / jnp.sqrt(var + 1e-5)
    h = gamma_ref[...] * h + beta_ref[...]
    h = jnp.where(h > 0, h, 0.01 * h)
    y2_ref[...] = dis * jnp.dot(h, w21_ref[...],
                                preferred_element_type=jnp.float32)
    hw0_ref[...] = jnp.dot(h, w20_ref[...],
                           preferred_element_type=jnp.float32) + b2_ref[...]


def _tc_post_body(parts_ref, dis_ref, hw0_ref, batch_ref, linw_ref,
                  linb_ref, out_ref):
    h2 = hw0_ref[...] - dis_ref[...] * (parts_ref[0, :N] + parts_ref[1, :N])
    gids = lax.broadcasted_iota(jnp.int32, (1, G), 1)
    oh = (batch_ref[...] == gids).astype(jnp.float32)
    sums = lax.dot_general(oh, h2, (((0,), (0,)), ((), ())),
                           preferred_element_type=jnp.float32)
    cnt = jnp.sum(oh, axis=0)[:, None]
    pooled = sums / jnp.maximum(cnt, 1.0)
    out_ref[...] = jnp.dot(pooled, linw_ref[...],
                           preferred_element_type=jnp.float32) + linb_ref[...]


@jax.jit
def kernel(x, edge_index, batch, W1_0, W1_1, b1, W2_0, W2_1, b2, gamma, beta,
           linW, linb):
    src = edge_index[0]
    dst = edge_index[1]
    pad = EPAD - E
    src3 = jnp.concatenate([src, jnp.zeros((pad,), jnp.int32)]).reshape(
        NW, CHUNKS, LN)
    dst3 = jnp.concatenate([dst, jnp.full((pad,), N, jnp.int32)]).reshape(
        NW, CHUNKS, LN)
    zeros1 = jnp.zeros((DEG_N,), jnp.float32)
    zeros2 = jnp.zeros((DEG_N, H), jnp.float32)

    deg_parts, dstp3 = _sc_prep()(src3, dst3, zeros1)

    dis, y1, xw0 = pl.pallas_call(
        _tc_pre_body,
        out_shape=[
            jax.ShapeDtypeStruct((N, 1), jnp.float32),
            jax.ShapeDtypeStruct((N, H), jnp.float32),
            jax.ShapeDtypeStruct((N, H), jnp.float32),
        ],
    )(deg_parts, x, W1_0, W1_1, b1.reshape(1, H))

    parts1 = _sc_conv()(y1, src3, dstp3, zeros2)

    y2, hw0 = pl.pallas_call(
        _tc_mid_body,
        out_shape=[
            jax.ShapeDtypeStruct((N, H), jnp.float32),
            jax.ShapeDtypeStruct((N, H), jnp.float32),
        ],
    )(parts1, dis, xw0, gamma.reshape(1, H), beta.reshape(1, H), W2_0,
      W2_1, b2.reshape(1, H))

    parts2 = _sc_conv()(y2, src3, dstp3, zeros2)

    out = pl.pallas_call(
        _tc_post_body,
        out_shape=jax.ShapeDtypeStruct((G, 1), jnp.float32),
    )(parts2, dis, hw0, batch.reshape(N, 1), linW, linb.reshape(1, 1))
    return out

# --- scband reference (transcript-rebuilt; emitter-appended) ---
"""Pipeline reference for scband-cheb-encoder2-82781199663548 (READ-ONLY COPY).

The authoritative reference and input builder live on the scoring server;
editing this copy changes nothing except your own understanding.
"""

import jax, jax.numpy as jnp
import numpy as np

N = 10000
E = 320000
D = 128
H = 128
G = 64


def setup_inputs(seed: int = 0) -> dict:
    key = jax.random.key(seed)
    ks = jax.random.split(key, 14)
    s = 1.0 / np.sqrt(D)
    x = jax.random.normal(ks[0], (N, D), dtype=jnp.float32)
    edge_index = jax.random.randint(ks[1], (2, E), 0, N, dtype=jnp.int32)
    batch = jnp.sort(jax.random.randint(ks[2], (N,), 0, G, dtype=jnp.int32))
    W1_0 = jax.random.normal(ks[3], (D, H), dtype=jnp.float32) * s
    W1_1 = jax.random.normal(ks[4], (D, H), dtype=jnp.float32) * s
    b1 = jnp.zeros((H,), dtype=jnp.float32)
    W2_0 = jax.random.normal(ks[5], (H, H), dtype=jnp.float32) * s
    W2_1 = jax.random.normal(ks[6], (H, H), dtype=jnp.float32) * s
    b2 = jnp.zeros((H,), dtype=jnp.float32)
    gamma = jnp.ones((H,), dtype=jnp.float32)
    beta = jnp.zeros((H,), dtype=jnp.float32)
    linW = jax.random.normal(ks[7], (H, 1), dtype=jnp.float32) * s
    linb = jnp.zeros((1,), dtype=jnp.float32)
    return {"x": x, "edge_index": edge_index, "batch": batch,
            "W1_0": W1_0, "W1_1": W1_1, "b1": b1,
            "W2_0": W2_0, "W2_1": W2_1, "b2": b2,
            "gamma": gamma, "beta": beta, "linW": linW, "linb": linb}


def _cheb_norm(edge_index):
    # PyG ChebConv with normalization='sym', lambda_max=2.0:
    # scaled Laplacian L_hat = -D^{-1/2} A D^{-1/2} (diagonal becomes 0)
    row, col = edge_index[0], edge_index[1]
    ew = jnp.where(row == col, 0.0, 1.0).astype(jnp.float32)  # remove self loops
    deg = jax.ops.segment_sum(ew, row, num_segments=N)
    dis = jnp.where(deg > 0, 1.0 / jnp.sqrt(deg), 0.0)
    w = -dis[row] * ew * dis[col]
    return w


def _cheb_conv(x, edge_index, w, Wk0, Wk1, b):
    # K=2 Chebyshev: out = Tx0 @ W0 + Tx1 @ W1 + b; Tx0 = x; Tx1 = L_hat x
    src, dst = edge_index[0], edge_index[1]
    Tx0 = x
    msg = w[:, None] * x[src]              # gather (SparseCore)
    Tx1 = jax.ops.segment_sum(msg, dst, num_segments=N)  # scatter-add
    return Tx0 @ Wk0 + Tx1 @ Wk1 + b


def reference(x, edge_index, batch, W1_0, W1_1, b1, W2_0, W2_1, b2, gamma, beta, linW, linb):
    w = _cheb_norm(edge_index)
    h = _cheb_conv(x, edge_index, w, W1_0, W1_1, b1)
    # BatchNorm1d (training-mode statistics, eps=1e-5, biased variance)
    mean = jnp.mean(h, axis=0)
    var = jnp.mean((h - mean) ** 2, axis=0)
    h = (h - mean) / jnp.sqrt(var + 1e-5)
    h = gamma * h + beta
    # LeakyReLU (negative_slope=0.01)
    h = jnp.where(h > 0, h, 0.01 * h)
    h = _cheb_conv(h, edge_index, w, W2_0, W2_1, b2)
    # global_mean_pool over batch ids
    sums = jax.ops.segment_sum(h, batch, num_segments=G)
    cnt = jax.ops.segment_sum(jnp.ones((N,), dtype=jnp.float32), batch, num_segments=G)
    pooled = sums / jnp.maximum(cnt, 1.0)[:, None]
    # dropout is identity in eval
    out = pooled @ linW + linb
    return out

if __name__ == "__main__":
    import jax
    _d = setup_inputs()
    print(jax.jit(kernel)(*tuple(_d.values())))

</pallas_src>

<mosaic_0001>
#map = affine_map<(d0, d1) -> (0, 0, 0)>
#map1 = affine_map<(d0, d1) -> (0)>
#map2 = affine_map<(d0, d1) -> (0, 0)>
module attributes {stable_mosaic.version = 14 : i64} {
  func.func @_sc_prep_body(%arg0: i32, %arg1: i32, %arg2: memref<32x80x128xi32, #tpu.memory_space<hbm>>, %arg3: memref<32x80x128xi32, #tpu.memory_space<hbm>>, %arg4: memref<10240xf32, #tpu.memory_space<hbm>>, %arg5: memref<32x10240xf32, #tpu.memory_space<hbm>>, %arg6: memref<32x80x128xi32, #tpu.memory_space<hbm>>, %arg7: memref<80x128xi32, #tpu.memory_space<vmem>>, %arg8: memref<80x128xi32, #tpu.memory_space<vmem>>, %arg9: memref<80x128xi32, #tpu.memory_space<vmem>>, %arg10: memref<10240xf32, #tpu.memory_space<vmem>>) attributes {dimension_semantics = [#tpu.dimension_semantics<core_parallel>, #tpu.dimension_semantics<subcore_parallel>], iteration_bounds = array<i64: 2, 16>, scalar_prefetch = 0 : i64, scratch_operands = 4 : i64, tpu.core_type = #tpu.core_type<sc_vector_subcore>, window_params = [{transform_indices = #map}, {transform_indices = #map}, {transform_indices = #map1}, {transform_indices = #map2}, {transform_indices = #map}]} {
    %mul3A = arith.constant 2 : i32
    %mul3A_0 = arith.muli %arg1, %mul3A : i32
    %add3A = arith.addi %mul3A_0, %arg0 : i32
    "tpu.region"() ({
      %run_scoped3A = tpu.sem_alloc : memref<!tpu.dma_semaphore, #tpu.memory_space<semaphore_mem>>
      %dma_start3A = arith.constant 0 : i32
      %dma_start3A_8 = arith.constant 0 : i32
      %dma_start3A_9 = tpu.memref_slice %arg2[%add3A, %dma_start3A, %dma_start3A_8] : memref<32x80x128xi32, #tpu.memory_space<hbm>> -> memref<1x80x128xi32, #tpu.memory_space<hbm>>
      %dma_start3A_10 = tpu.memref_squeeze %dma_start3A_9 : memref<1x80x128xi32, #tpu.memory_space<hbm>> -> memref<80x128xi32, #tpu.memory_space<hbm>>
      %dma_start3A_11 = arith.constant 0 : i32
      %dma_start3A_12 = arith.constant 0 : i32
      %dma_start3A_13 = tpu.memref_slice %arg2[%add3A, %dma_start3A_11, %dma_start3A_12] : memref<32x80x128xi32, #tpu.memory_space<hbm>> -> memref<1x80x128xi32, #tpu.memory_space<hbm>>
      %dma_start3A_14 = tpu.memref_squeeze %dma_start3A_13 : memref<1x80x128xi32, #tpu.memory_space<hbm>> -> memref<80x128xi32, #tpu.memory_space<hbm>>
      tpu.enqueue_dma source(%dma_start3A_14 : memref<80x128xi32, #tpu.memory_space<hbm>>) target(%arg7 : memref<80x128xi32, #tpu.memory_space<vmem>>) target_semaphore(%run_scoped3A : memref<!tpu.dma_semaphore, #tpu.memory_space<semaphore_mem>>)
      %dma_wait3A = arith.constant 0 : i32
      %dma_wait3A_15 = arith.constant 0 : i32
      %dma_wait3A_16 = tpu.memref_slice %arg2[%add3A, %dma_wait3A, %dma_wait3A_15] : memref<32x80x128xi32, #tpu.memory_space<hbm>> -> memref<1x80x128xi32, #tpu.memory_space<hbm>>
      %dma_wait3A_17 = tpu.memref_squeeze %dma_wait3A_16 : memref<1x80x128xi32, #tpu.memory_space<hbm>> -> memref<80x128xi32, #tpu.memory_space<hbm>>
      %dma_wait3A_18 = arith.constant 0 : i32
      %dma_wait3A_19 = arith.constant 0 : i32
      %dma_wait3A_20 = tpu.memref_slice %arg2[%add3A, %dma_wait3A_18, %dma_wait3A_19] : memref<32x80x128xi32, #tpu.memory_space<hbm>> -> memref<1x80x128xi32, #tpu.memory_space<hbm>>
      %dma_wait3A_21 = tpu.memref_squeeze %dma_wait3A_20 : memref<1x80x128xi32, #tpu.memory_space<hbm>> -> memref<80x128xi32, #tpu.memory_space<hbm>>
      tpu.wait_dma2 semaphore(%run_scoped3A : memref<!tpu.dma_semaphore, #tpu.memory_space<semaphore_mem>>) src(%dma_wait3A_21 : memref<80x128xi32, #tpu.memory_space<hbm>>) dst(%arg7 : memref<80x128xi32, #tpu.memory_space<vmem>>)
      tpu.yield
    }) : () -> ()
    "tpu.region"() ({
      %run_scoped3A = tpu.sem_alloc : memref<!tpu.dma_semaphore, #tpu.memory_space<semaphore_mem>>
      %dma_start3A = arith.constant 0 : i32
      %dma_start3A_8 = arith.constant 0 : i32
      %dma_start3A_9 = tpu.memref_slice %arg3[%add3A, %dma_start3A, %dma_start3A_8] : memref<32x80x128xi32, #tpu.memory_space<hbm>> -> memref<1x80x128xi32, #tpu.memory_space<hbm>>
      %dma_start3A_10 = tpu.memref_squeeze %dma_start3A_9 : memref<1x80x128xi32, #tpu.memory_space<hbm>> -> memref<80x128xi32, #tpu.memory_space<hbm>>
      %dma_start3A_11 = arith.constant 0 : i32
      %dma_start3A_12 = arith.constant 0 : i32
      %dma_start3A_13 = tpu.memref_slice %arg3[%add3A, %dma_start3A_11, %dma_start3A_12] : memref<32x80x128xi32, #tpu.memory_space<hbm>> -> memref<1x80x128xi32, #tpu.memory_space<hbm>>
      %dma_start3A_14 = tpu.memref_squeeze %dma_start3A_13 : memref<1x80x128xi32, #tpu.memory_space<hbm>> -> memref<80x128xi32, #tpu.memory_space<hbm>>
      tpu.enqueue_dma source(%dma_start3A_14 : memref<80x128xi32, #tpu.memory_space<hbm>>) target(%arg8 : memref<80x128xi32, #tpu.memory_space<vmem>>) target_semaphore(%run_scoped3A : memref<!tpu.dma_semaphore, #tpu.memory_space<semaphore_mem>>)
      %dma_wait3A = arith.constant 0 : i32
      %dma_wait3A_15 = arith.constant 0 : i32
      %dma_wait3A_16 = tpu.memref_slice %arg3[%add3A, %dma_wait3A, %dma_wait3A_15] : memref<32x80x128xi32, #tpu.memory_space<hbm>> -> memref<1x80x128xi32, #tpu.memory_space<hbm>>
      %dma_wait3A_17 = tpu.memref_squeeze %dma_wait3A_16 : memref<1x80x128xi32, #tpu.memory_space<hbm>> -> memref<80x128xi32, #tpu.memory_space<hbm>>
      %dma_wait3A_18 = arith.constant 0 : i32
      %dma_wait3A_19 = arith.constant 0 : i32
      %dma_wait3A_20 = tpu.memref_slice %arg3[%add3A, %dma_wait3A_18, %dma_wait3A_19] : memref<32x80x128xi32, #tpu.memory_space<hbm>> -> memref<1x80x128xi32, #tpu.memory_space<hbm>>
      %dma_wait3A_21 = tpu.memref_squeeze %dma_wait3A_20 : memref<1x80x128xi32, #tpu.memory_space<hbm>> -> memref<80x128xi32, #tpu.memory_space<hbm>>
      tpu.wait_dma2 semaphore(%run_scoped3A : memref<!tpu.dma_semaphore, #tpu.memory_space<semaphore_mem>>) src(%dma_wait3A_21 : memref<80x128xi32, #tpu.memory_space<hbm>>) dst(%arg8 : memref<80x128xi32, #tpu.memory_space<vmem>>)
      tpu.yield
    }) : () -> ()
    "tpu.region"() ({
      %run_scoped3A = tpu.sem_alloc : memref<!tpu.dma_semaphore, #tpu.memory_space<semaphore_mem>>
      tpu.enqueue_dma source(%arg4 : memref<10240xf32, #tpu.memory_space<hbm>>) target(%arg10 : memref<10240xf32, #tpu.memory_space<vmem>>) target_semaphore(%run_scoped3A : memref<!tpu.dma_semaphore, #tpu.memory_space<semaphore_mem>>)
      tpu.wait_dma2 semaphore(%run_scoped3A : memref<!tpu.dma_semaphore, #tpu.memory_space<semaphore_mem>>) src(%arg4 : memref<10240xf32, #tpu.memory_space<hbm>>) dst(%arg10 : memref<10240xf32, #tpu.memory_space<vmem>>)
      tpu.yield
    }) : () -> ()
    %broadcast_in_dim3A = arith.constant 1.000000e+00 : f32
    %broadcast_in_dim3A_1 = vector.broadcast %broadcast_in_dim3A : f32 to vector<16xf32>
    %scan3A = arith.constant 0 : i32
    %scan3A_2 = arith.constant 0 : i32
    %scan3A_3 = arith.constant 80 : i32
    %scan3A_4 = arith.addi %scan3A_2, %scan3A_3 : i32
    %scan3A_5 = arith.constant 1 : i32
    %scan3A_6 = scf.for %scan3A_8 = %scan3A_2 to %scan3A_4 step %scan3A_5 iter_args(%scan3A_9 = %scan3A) -> (i32)  : i32 {
      %get3A = arith.index_cast %scan3A_8 : i32 to index
      %get3A_10 = arith.constant 0 : index
      %get3A_11 = tpu.vector_load %arg7[%get3A, %get3A_10] {strides = array<i32>} : memref<80x128xi32, #tpu.memory_space<vmem>>, vector<16xi32>,
      %get3A_12 = arith.index_cast %scan3A_8 : i32 to index
      %get3A_13 = arith.constant 0 : index
      %get3A_14 = tpu.vector_load %arg8[%get3A_12, %get3A_13] {strides = array<i32>} : memref<80x128xi32, #tpu.memory_space<vmem>>, vector<16xi32>,
      %eq3A = arith.cmpi eq, %get3A_11, %get3A_14 : vector<16xi32>
      %ge3A = arith.constant 10000 : i32
      %ge3A_15 = vector.broadcast %ge3A : i32 to vector<16xi32>
      %ge3A_16 = arith.cmpi sge, %get3A_14, %ge3A_15 : vector<16xi32>
      %or3A = arith.ori %eq3A, %ge3A_16 : vector<16xi1>
      %jit3A = arith.constant 10000 : i32
      %broadcast_in_dim3A_17 = vector.broadcast %jit3A : i32 to vector<16xi32>
      %select_n3A = arith.select %or3A, %broadcast_in_dim3A_17, %get3A_11 : vector<16xi1>, vector<16xi32>
      %jit3A_18 = arith.constant 10000 : i32
      %broadcast_in_dim3A_19 = vector.broadcast %jit3A_18 : i32 to vector<16xi32>
      %select_n3A_20 = arith.select %or3A, %broadcast_in_dim3A_19, %get3A_14 : vector<16xi1>, vector<16xi32>
      %swap3A = arith.index_cast %scan3A_8 : i32 to index
      %swap3A_21 = arith.constant 0 : index
      %swap3A_22 = tpu.vector_load %arg9[%swap3A, %swap3A_21] {strides = array<i32>} : memref<80x128xi32, #tpu.memory_space<vmem>>, vector<16xi32>,
      tpu.vector_store %arg9[%swap3A, %swap3A_21], %select_n3A_20 {strides = array<i32>} : memref<80x128xi32, #tpu.memory_space<vmem>>, vector<16xi32>,
      tpu.vector_store_idx %arg10[%select_n3A], %broadcast_in_dim3A_1 {add = true} : memref<10240xf32, #tpu.memory_space<vmem>>[vector<16xi32>], vector<16xf32>,
      %get3A_23 = arith.index_cast %scan3A_8 : i32 to index
      %get3A_24 = arith.constant 16 : index
      %get3A_25 = tpu.vector_load %arg7[%get3A_23, %get3A_24] {strides = array<i32>} : memref<80x128xi32, #tpu.memory_space<vmem>>, vector<16xi32>,
      %get3A_26 = arith.index_cast %scan3A_8 : i32 to index
      %get3A_27 = arith.constant 16 : index
      %get3A_28 = tpu.vector_load %arg8[%get3A_26, %get3A_27] {strides = array<i32>} : memref<80x128xi32, #tpu.memory_space<vmem>>, vector<16xi32>,
      %eq3A_29 = arith.cmpi eq, %get3A_25, %get3A_28 : vector<16xi32>
      %ge3A_30 = arith.constant 10000 : i32
      %ge3A_31 = vector.broadcast %ge3A_30 : i32 to vector<16xi32>
      %ge3A_32 = arith.cmpi sge, %get3A_28, %ge3A_31 : vector<16xi32>
      %or3A_33 = arith.ori %eq3A_29, %ge3A_32 : vector<16xi1>
      %jit3A_34 = arith.constant 10000 : i32
      %broadcast_in_dim3A_35 = vector.broadcast %jit3A_34 : i32 to vector<16xi32>
      %select_n3A_36 = arith.select %or3A_33, %broadcast_in_dim3A_35, %get3A_25 : vector<16xi1>, vector<16xi32>
      %jit3A_37 = arith.constant 10000 : i32
      %broadcast_in_dim3A_38 = vector.broadcast %jit3A_37 : i32 to vector<16xi32>
      %select_n3A_39 = arith.select %or3A_33, %broadcast_in_dim3A_38, %get3A_28 : vector<16xi1>, vector<16xi32>
      %swap3A_40 = arith.index_cast %scan3A_8 : i32 to index
      %swap3A_41 = arith.constant 16 : index
      %swap3A_42 = tpu.vector_load %arg9[%swap3A_40, %swap3A_41] {strides = array<i32>} : memref<80x128xi32, #tpu.memory_space<vmem>>, vector<16xi32>,
      tpu.vector_store %arg9[%swap3A_40, %swap3A_41], %select_n3A_39 {strides = array<i32>} : memref<80x128xi32, #tpu.memory_space<vmem>>, vector<16xi32>,
      tpu.vector_store_idx %arg10[%select_n3A_36], %broadcast_in_dim3A_1 {add = true} : memref<10240xf32, #tpu.memory_space<vmem>>[vector<16xi32>], vector<16xf32>,
      %get3A_43 = arith.index_cast %scan3A_8 : i32 to index
      %get3A_44 = arith.constant 32 : index
      %get3A_45 = tpu.vector_load %arg7[%get3A_43, %get3A_44] {strides = array<i32>} : memref<80x128xi32, #tpu.memory_space<vmem>>, vector<16xi32>,
      %get3A_46 = arith.index_cast %scan3A_8 : i32 to index
      %get3A_47 = arith.constant 32 : index
      %get3A_48 = tpu.vector_load %arg8[%get3A_46, %get3A_47] {strides = array<i32>} : memref<80x128xi32, #tpu.memory_space<vmem>>, vector<16xi32>,
      %eq3A_49 = arith.cmpi eq, %get3A_45, %get3A_48 : vector<16xi32>
      %ge3A_50 = arith.constant 10000 : i32
      %ge3A_51 = vector.broadcast %ge3A_50 : i32 to vector<16xi32>
      %ge3A_52 = arith.cmpi sge, %get3A_48, %ge3A_51 : vector<16xi32>
      %or3A_53 = arith.ori %eq3A_49, %ge3A_52 : vector<16xi1>
      %jit3A_54 = arith.constant 10000 : i32
      %broadcast_in_dim3A_55 = vector.broadcast %jit3A_54 : i32 to vector<16xi32>
      %select_n3A_56 = arith.select %or3A_53, %broadcast_in_dim3A_55, %get3A_45 : vector<16xi1>, vector<16xi32>
      %jit3A_57 = arith.constant 10000 : i32
      %broadcast_in_dim3A_58 = vector.broadcast %jit3A_57 : i32 to vector<16xi32>
      %select_n3A_59 = arith.select %or3A_53, %broadcast_in_dim3A_58, %get3A_48 : vector<16xi1>, vector<16xi32>
      %swap3A_60 = arith.index_cast %scan3A_8 : i32 to index
      %swap3A_61 = arith.constant 32 : index
      %swap3A_62 = tpu.vector_load %arg9[%swap3A_60, %swap3A_61] {strides = array<i32>} : memref<80x128xi32, #tpu.memory_space<vmem>>, vector<16xi32>,
      tpu.vector_store %arg9[%swap3A_60, %swap3A_61], %select_n3A_59 {strides = array<i32>} : memref<80x128xi32, #tpu.memory_space<vmem>>, vector<16xi32>,
      tpu.vector_store_idx %arg10[%select_n3A_56], %broadcast_in_dim3A_1 {add = true} : memref<10240xf32, #tpu.memory_space<vmem>>[vector<16xi32>], vector<16xf32>,
      %get3A_63 = arith.index_cast %scan3A_8 : i32 to index
      %get3A_64 = arith.constant 48 : index
      %get3A_65 = tpu.vector_load %arg7[%get3A_63, %get3A_64] {strides = array<i32>} : memref<80x128xi32, #tpu.memory_space<vmem>>, vector<16xi32>,
      %get3A_66 = arith.index_cast %scan3A_8 : i32 to index
      %get3A_67 = arith.constant 48 : index
      %get3A_68 = tpu.vector_load %arg8[%get3A_66, %get3A_67] {strides = array<i32>} : memref<80x128xi32, #tpu.memory_space<vmem>>, vector<16xi32>,
      %eq3A_69 = arith.cmpi eq, %get3A_65, %get3A_68 : vector<16xi32>
      %ge3A_70 = arith.constant 10000 : i32
      %ge3A_71 = vector.broadcast %ge3A_70 : i32 to vector<16xi32>
      %ge3A_72 = arith.cmpi sge, %get3A_68, %ge3A_71 : vector<16xi32>
      %or3A_73 = arith.ori %eq3A_69, %ge3A_72 : vector<16xi1>
      %jit3A_74 = arith.constant 10000 : i32
      %broadcast_in_dim3A_75 = vector.broadcast %jit3A_74 : i32 to vector<16xi32>
      %select_n3A_76 = arith.select %or3A_73, %broadcast_in_dim3A_75, %get3A_65 : vector<16xi1>, vector<16xi32>
      %jit3A_77 = arith.constant 10000 : i32
      %broadcast_in_dim3A_78 = vector.broadcast %jit3A_77 : i32 to vector<16xi32>
      %select_n3A_79 = arith.select %or3A_73, %broadcast_in_dim3A_78, %get3A_68 : vector<16xi1>, vector<16xi32>
      %swap3A_80 = arith.index_cast %scan3A_8 : i32 to index
      %swap3A_81 = arith.constant 48 : index
      %swap3A_82 = tpu.vector_load %arg9[%swap3A_80, %swap3A_81] {strides = array<i32>} : memref<80x128xi32, #tpu.memory_space<vmem>>, vector<16xi32>,
      tpu.vector_store %arg9[%swap3A_80, %swap3A_81], %select_n3A_79 {strides = array<i32>} : memref<80x128xi32, #tpu.memory_space<vmem>>, vector<16xi32>,
      tpu.vector_store_idx %arg10[%select_n3A_76], %broadcast_in_dim3A_1 {add = true} : memref<10240xf32, #tpu.memory_space<vmem>>[vector<16xi32>], vector<16xf32>,
      %get3A_83 = arith.index_cast %scan3A_8 : i32 to index
      %get3A_84 = arith.constant 64 : index
      %get3A_85 = tpu.vector_load %arg7[%get3A_83, %get3A_84] {strides = array<i32>} : memref<80x128xi32, #tpu.memory_space<vmem>>, vector<16xi32>,
      %get3A_86 = arith.index_cast %scan3A_8 : i32 to index
      %get3A_87 = arith.constant 64 : index
      %get3A_88 = tpu.vector_load %arg8[%get3A_86, %get3A_87] {strides = array<i32>} : memref<80x128xi32, #tpu.memory_space<vmem>>, vector<16xi32>,
      %eq3A_89 = arith.cmpi eq, %get3A_85, %get3A_88 : vector<16xi32>
      %ge3A_90 = arith.constant 10000 : i32
      %ge3A_91 = vector.broadcast %ge3A_90 : i32 to vector<16xi32>
      %ge3A_92 = arith.cmpi sge, %get3A_88, %ge3A_91 : vector<16xi32>
      %or3A_93 = arith.ori %eq3A_89, %ge3A_92 : vector<16xi1>
      %jit3A_94 = arith.constant 10000 : i32
      %broadcast_in_dim3A_95 = vector.broadcast %jit3A_94 : i32 to vector<16xi32>
      %select_n3A_96 = arith.select %or3A_93, %broadcast_in_dim3A_95, %get3A_85 : vector<16xi1>, vector<16xi32>
      %jit3A_97 = arith.constant 10000 : i32
      %broadcast_in_dim3A_98 = vector.broadcast %jit3A_97 : i32 to vector<16xi32>
      %select_n3A_99 = arith.select %or3A_93, %broadcast_in_dim3A_98, %get3A_88 : vector<16xi1>, vector<16xi32>
      %swap3A_100 = arith.index_cast %scan3A_8 : i32 to index
      %swap3A_101 = arith.constant 64 : index
      %swap3A_102 = tpu.vector_load %arg9[%swap3A_100, %swap3A_101] {strides = array<i32>} : memref<80x128xi32, #tpu.memory_space<vmem>>, vector<16xi32>,
      tpu.vector_store %arg9[%swap3A_100, %swap3A_101], %select_n3A_99 {strides = array<i32>} : memref<80x128xi32, #tpu.memory_space<vmem>>, vector<16xi32>,
      tpu.vector_store_idx %arg10[%select_n3A_96], %broadcast_in_dim3A_1 {add = true} : memref<10240xf32, #tpu.memory_space<vmem>>[vector<16xi32>], vector<16xf32>,
      %get3A_103 = arith.index_cast %scan3A_8 : i32 to index
      %get3A_104 = arith.constant 80 : index
      %get3A_105 = tpu.vector_load %arg7[%get3A_103, %get3A_104] {strides = array<i32>} : memref<80x128xi32, #tpu.memory_space<vmem>>, vector<16xi32>,
      %get3A_106 = arith.index_cast %scan3A_8 : i32 to index
      %get3A_107 = arith.constant 80 : index
      %get3A_108 = tpu.vector_load %arg8[%get3A_106, %get3A_107] {strides = array<i32>} : memref<80x128xi32, #tpu.memory_space<vmem>>, vector<16xi32>,
      %eq3A_109 = arith.cmpi eq, %get3A_105, %get3A_108 : vector<16xi32>
      %ge3A_110 = arith.constant 10000 : i32
      %ge3A_111 = vector.broadcast %ge3A_110 : i32 to vector<16xi32>
      %ge3A_112 = arith.cmpi sge, %get3A_108, %ge3A_111 : vector<16xi32>
      %or3A_113 = arith.ori %eq3A_109, %ge3A_112 : vector<16xi1>
      %jit3A_114 = arith.constant 10000 : i32
      %broadcast_in_dim3A_115 = vector.broadcast %jit3A_114 : i32 to vector<16xi32>
      %select_n3A_116 = arith.select %or3A_113, %broadcast_in_dim3A_115, %get3A_105 : vector<16xi1>, vector<16xi32>
      %jit3A_117 = arith.constant 10000 : i32
      %broadcast_in_dim3A_118 = vector.broadcast %jit3A_117 : i32 to vector<16xi32>
      %select_n3A_119 = arith.select %or3A_113, %broadcast_in_dim3A_118, %get3A_108 : vector<16xi1>, vector<16xi32>
      %swap3A_120 = arith.index_cast %scan3A_8 : i32 to index
      %swap3A_121 = arith.constant 80 : index
      %swap3A_122 = tpu.vector_load %arg9[%swap3A_120, %swap3A_121] {strides = array<i32>} : memref<80x128xi32, #tpu.memory_space<vmem>>, vector<16xi32>,
      tpu.vector_store %arg9[%swap3A_120, %swap3A_121], %select_n3A_119 {strides = array<i32>} : memref<80x128xi32, #tpu.memory_space<vmem>>, vector<16xi32>,
      tpu.vector_store_idx %arg10[%select_n3A_116], %broadcast_in_dim3A_1 {add = true} : memref<10240xf32, #tpu.memory_space<vmem>>[vector<16xi32>], vector<16xf32>,
      %get3A_123 = arith.index_cast %scan3A_8 : i32 to index
      %get3A_124 = arith.constant 96 : index
      %get3A_125 = tpu.vector_load %arg7[%get3A_123, %get3A_124] {strides = array<i32>} : memref<80x128xi32, #tpu.memory_space<vmem>>, vector<16xi32>,
      %get3A_126 = arith.index_cast %scan3A_8 : i32 to index
      %get3A_127 = arith.constant 96 : index
      %get3A_128 = tpu.vector_load %arg8[%get3A_126, %get3A_127] {strides = array<i32>} : memref<80x128xi32, #tpu.memory_space<vmem>>, vector<16xi32>,
      %eq3A_129 = arith.cmpi eq, %get3A_125, %get3A_128 : vector<16xi32>
      %ge3A_130 = arith.constant 10000 : i32
      %ge3A_131 = vector.broadcast %ge3A_130 : i32 to vector<16xi32>
      %ge3A_132 = arith.cmpi sge, %get3A_128, %ge3A_131 : vector<16xi32>
      %or3A_133 = arith.ori %eq3A_129, %ge3A_132 : vector<16xi1>
      %jit3A_134 = arith.constant 10000 : i32
      %broadcast_in_dim3A_135 = vector.broadcast %jit3A_134 : i32 to vector<16xi32>
      %select_n3A_136 = arith.select %or3A_133, %broadcast_in_dim3A_135, %get3A_125 : vector<16xi1>, vector<16xi32>
      %jit3A_137 = arith.constant 10000 : i32
      %broadcast_in_dim3A_138 = vector.broadcast %jit3A_137 : i32 to vector<16xi32>
      %select_n3A_139 = arith.select %or3A_133, %broadcast_in_dim3A_138, %get3A_128 : vector<16xi1>, vector<16xi32>
      %swap3A_140 = arith.index_cast %scan3A_8 : i32 to index
      %swap3A_141 = arith.constant 96 : index
      %swap3A_142 = tpu.vector_load %arg9[%swap3A_140, %swap3A_141] {strides = array<i32>} : memref<80x128xi32, #tpu.memory_space<vmem>>, vector<16xi32>,
      tpu.vector_store %arg9[%swap3A_140, %swap3A_141], %select_n3A_139 {strides = array<i32>} : memref<80x128xi32, #tpu.memory_space<vmem>>, vector<16xi32>,
      tpu.vector_store_idx %arg10[%select_n3A_136], %broadcast_in_dim3A_1 {add = true} : memref<10240xf32, #tpu.memory_space<vmem>>[vector<16xi32>], vector<16xf32>,
      %get3A_143 = arith.index_cast %scan3A_8 : i32 to index
      %get3A_144 = arith.constant 112 : index
      %get3A_145 = tpu.vector_load %arg7[%get3A_143, %get3A_144] {strides = array<i32>} : memref<80x128xi32, #tpu.memory_space<vmem>>, vector<16xi32>,
      %get3A_146 = arith.index_cast %scan3A_8 : i32 to index
      %get3A_147 = arith.constant 112 : index
      %get3A_148 = tpu.vector_load %arg8[%get3A_146, %get3A_147] {strides = array<i32>} : memref<80x128xi32, #tpu.memory_space<vmem>>, vector<16xi32>,
      %eq3A_149 = arith.cmpi eq, %get3A_145, %get3A_148 : vector<16xi32>
      %ge3A_150 = arith.constant 10000 : i32
      %ge3A_151 = vector.broadcast %ge3A_150 : i32 to vector<16xi32>
      %ge3A_152 = arith.cmpi sge, %get3A_148, %ge3A_151 : vector<16xi32>
      %or3A_153 = arith.ori %eq3A_149, %ge3A_152 : vector<16xi1>
      %jit3A_154 = arith.constant 10000 : i32
      %broadcast_in_dim3A_155 = vector.broadcast %jit3A_154 : i32 to vector<16xi32>
      %select_n3A_156 = arith.select %or3A_153, %broadcast_in_dim3A_155, %get3A_145 : vector<16xi1>, vector<16xi32>
      %jit3A_157 = arith.constant 10000 : i32
      %broadcast_in_dim3A_158 = vector.broadcast %jit3A_157 : i32 to vector<16xi32>
      %select_n3A_159 = arith.select %or3A_153, %broadcast_in_dim3A_158, %get3A_148 : vector<16xi1>, vector<16xi32>
      %swap3A_160 = arith.index_cast %scan3A_8 : i32 to index
      %swap3A_161 = arith.constant 112 : index
      %swap3A_162 = tpu.vector_load %arg9[%swap3A_160, %swap3A_161] {strides = array<i32>} : memref<80x128xi32, #tpu.memory_space<vmem>>, vector<16xi32>,
      tpu.vector_store %arg9[%swap3A_160, %swap3A_161], %select_n3A_159 {strides = array<i32>} : memref<80x128xi32, #tpu.memory_space<vmem>>, vector<16xi32>,
      tpu.vector_store_idx %arg10[%select_n3A_156], %broadcast_in_dim3A_1 {add = true} : memref<10240xf32, #tpu.memory_space<vmem>>[vector<16xi32>], vector<16xf32>,
      %scan3A_163 = arith.constant 0 : i32
      scf.yield %scan3A_163 : i32
    }
    %scan3A_7 = arith.constant 80 : i32
    "tpu.region"() ({
      %run_scoped3A = tpu.sem_alloc : memref<!tpu.dma_semaphore, #tpu.memory_space<semaphore_mem>>
      %dma_start3A = arith.constant 0 : i32
      %dma_start3A_8 = tpu.memref_slice %arg5[%add3A, %dma_start3A] : memref<32x10240xf32, #tpu.memory_space<hbm>> -> memref<1x10240xf32, #tpu.memory_space<hbm>>
      %dma_start3A_9 = tpu.memref_squeeze %dma_start3A_8 : memref<1x10240xf32, #tpu.memory_space<hbm>> -> memref<10240xf32, #tpu.memory_space<hbm>>
      %dma_start3A_10 = arith.constant 0 : i32
      %dma_start3A_11 = tpu.memref_slice %arg5[%add3A, %dma_start3A_10] : memref<32x10240xf32, #tpu.memory_space<hbm>> -> memref<1x10240xf32, #tpu.memory_space<hbm>>
      %dma_start3A_12 = tpu.memref_squeeze %dma_start3A_11 : memref<1x10240xf32, #tpu.memory_space<hbm>> -> memref<10240xf32, #tpu.memory_space<hbm>>
      tpu.enqueue_dma source(%arg10 : memref<10240xf32, #tpu.memory_space<vmem>>) target(%dma_start3A_12 : memref<10240xf32, #tpu.memory_space<hbm>>) target_semaphore(%run_scoped3A : memref<!tpu.dma_semaphore, #tpu.memory_space<semaphore_mem>>)
      %dma_wait3A = arith.constant 0 : i32
      %dma_wait3A_13 = tpu.memref_slice %arg5[%add3A, %dma_wait3A] : memref<32x10240xf32, #tpu.memory_space<hbm>> -> memref<1x10240xf32, #tpu.memory_space<hbm>>
      %dma_wait3A_14 = tpu.memref_squeeze %dma_wait3A_13 : memref<1x10240xf32, #tpu.memory_space<hbm>> -> memref<10240xf32, #tpu.memory_space<hbm>>
      %dma_wait3A_15 = arith.constant 0 : i32
      %dma_wait3A_16 = tpu.memref_slice %arg5[%add3A, %dma_wait3A_15] : memref<32x10240xf32, #tpu.memory_space<hbm>> -> memref<1x10240xf32, #tpu.memory_space<hbm>>
      %dma_wait3A_17 = tpu.memref_squeeze %dma_wait3A_16 : memref<1x10240xf32, #tpu.memory_space<hbm>> -> memref<10240xf32, #tpu.memory_space<hbm>>
      tpu.wait_dma2 semaphore(%run_scoped3A : memref<!tpu.dma_semaphore, #tpu.memory_space<semaphore_mem>>) src(%arg10 : memref<10240xf32, #tpu.memory_space<vmem>>) dst(%dma_wait3A_17 : memref<10240xf32, #tpu.memory_space<hbm>>)
      tpu.yield
    }) : () -> ()
    "tpu.region"() ({
      %run_scoped3A = tpu.sem_alloc : memref<!tpu.dma_semaphore, #tpu.memory_space<semaphore_mem>>
      %dma_start3A = arith.constant 0 : i32
      %dma_start3A_8 = arith.constant 0 : i32
      %dma_start3A_9 = tpu.memref_slice %arg6[%add3A, %dma_start3A, %dma_start3A_8] : memref<32x80x128xi32, #tpu.memory_space<hbm>> -> memref<1x80x128xi32, #tpu.memory_space<hbm>>
      %dma_start3A_10 = tpu.memref_squeeze %dma_start3A_9 : memref<1x80x128xi32, #tpu.memory_space<hbm>> -> memref<80x128xi32, #tpu.memory_space<hbm>>
      %dma_start3A_11 = arith.constant 0 : i32
      %dma_start3A_12 = arith.constant 0 : i32
      %dma_start3A_13 = tpu.memref_slice %arg6[%add3A, %dma_start3A_11, %dma_start3A_12] : memref<32x80x128xi32, #tpu.memory_space<hbm>> -> memref<1x80x128xi32, #tpu.memory_space<hbm>>
      %dma_start3A_14 = tpu.memref_squeeze %dma_start3A_13 : memref<1x80x128xi32, #tpu.memory_space<hbm>> -> memref<80x128xi32, #tpu.memory_space<hbm>>
      tpu.enqueue_dma source(%arg9 : memref<80x128xi32, #tpu.memory_space<vmem>>) target(%dma_start3A_14 : memref<80x128xi32, #tpu.memory_space<hbm>>) target_semaphore(%run_scoped3A : memref<!tpu.dma_semaphore, #tpu.memory_space<semaphore_mem>>)
      %dma_wait3A = arith.constant 0 : i32
      %dma_wait3A_15 = arith.constant 0 : i32
      %dma_wait3A_16 = tpu.memref_slice %arg6[%add3A, %dma_wait3A, %dma_wait3A_15] : memref<32x80x128xi32, #tpu.memory_space<hbm>> -> memref<1x80x128xi32, #tpu.memory_space<hbm>>
      %dma_wait3A_17 = tpu.memref_squeeze %dma_wait3A_16 : memref<1x80x128xi32, #tpu.memory_space<hbm>> -> memref<80x128xi32, #tpu.memory_space<hbm>>
      %dma_wait3A_18 = arith.constant 0 : i32
      %dma_wait3A_19 = arith.constant 0 : i32
      %dma_wait3A_20 = tpu.memref_slice %arg6[%add3A, %dma_wait3A_18, %dma_wait3A_19] : memref<32x80x128xi32, #tpu.memory_space<hbm>> -> memref<1x80x128xi32, #tpu.memory_space<hbm>>
      %dma_wait3A_21 = tpu.memref_squeeze %dma_wait3A_20 : memref<1x80x128xi32, #tpu.memory_space<hbm>> -> memref<80x128xi32, #tpu.memory_space<hbm>>
      tpu.wait_dma2 semaphore(%run_scoped3A : memref<!tpu.dma_semaphore, #tpu.memory_space<semaphore_mem>>) src(%arg9 : memref<80x128xi32, #tpu.memory_space<vmem>>) dst(%dma_wait3A_21 : memref<80x128xi32, #tpu.memory_space<hbm>>)
      tpu.yield
    }) : () -> ()
    return
  }
}

#map = affine_map<(d0, d1) -> (0, 0)>
#map1 = affine_map<(d0, d1) -> (0, 0, 0)>
module attributes {stable_mosaic.version = 14 : i64} {
  func.func @_sc_conv_body(%arg0: i32, %arg1: i32, %arg2: memref<10000x128xf32, #tpu.memory_space<hbm>>, %arg3: memref<32x80x128xi32, #tpu.memory_space<hbm>>, %arg4: memref<32x80x128xi32, #tpu.memory_space<hbm>>, %arg5: memref<10240x128xf32, #tpu.memory_space<hbm>>, %arg6: memref<2x10240x128xf32, #tpu.memory_space<hbm>>, %arg7: memref<80x128xi32, #tpu.memory_space<vmem>>, %arg8: memref<128x128xf32, #tpu.memory_space<vmem>>, %arg9: memref<128x128xf32, #tpu.memory_space<vmem>>, %arg10: memref<4x128xi32, #tpu.memory_space<vmem>>, %arg11: memref<2x!tpu.dma_semaphore, #tpu.memory_space<semaphore_mem>>, %arg12: memref<4x!tpu.dma_semaphore, #tpu.memory_space<semaphore_mem>>, %arg13: memref<10240x128xf32, #tpu.memory_space<vmem_shared>>) attributes {dimension_semantics = [#tpu.dimension_semantics<core_parallel>, #tpu.dimension_semantics<subcore_parallel>], iteration_bounds = array<i64: 2, 16>, scalar_prefetch = 0 : i64, scratch_operands = 7 : i64, tpu.core_type = #tpu.core_type<sc_vector_subcore>, window_params = [{transform_indices = #map}, {transform_indices = #map1}, {transform_indices = #map1}, {transform_indices = #map}, {transform_indices = #map1}]} {
    %mul3A = arith.constant 2 : i32
    %mul3A_0 = arith.muli %arg1, %mul3A : i32
    %add3A = arith.addi %mul3A_0, %arg0 : i32
    "tpu.region"() ({
      %run_scoped3A = tpu.sem_alloc : memref<!tpu.dma_semaphore, #tpu.memory_space<semaphore_mem>>
      %dma_start3A_103 = arith.constant 0 : i32
      %dma_start3A_104 = arith.constant 0 : i32
      %dma_start3A_105 = tpu.memref_slice %arg3[%add3A, %dma_start3A_103, %dma_start3A_104] : memref<32x80x128xi32, #tpu.memory_space<hbm>> -> memref<1x80x128xi32, #tpu.memory_space<hbm>>
      %dma_start3A_106 = tpu.memref_squeeze %dma_start3A_105 : memref<1x80x128xi32, #tpu.memory_space<hbm>> -> memref<80x128xi32, #tpu.memory_space<hbm>>
      %dma_start3A_107 = arith.constant 0 : i32
      %dma_start3A_108 = arith.constant 0 : i32
      %dma_start3A_109 = tpu.memref_slice %arg3[%add3A, %dma_start3A_107, %dma_start3A_108] : memref<32x80x128xi32, #tpu.memory_space<hbm>> -> memref<1x80x128xi32, #tpu.memory_space<hbm>>
      %dma_start3A_110 = tpu.memref_squeeze %dma_start3A_109 : memref<1x80x128xi32, #tpu.memory_space<hbm>> -> memref<80x128xi32, #tpu.memory_space<hbm>>
      tpu.enqueue_dma source(%dma_start3A_110 : memref<80x128xi32, #tpu.memory_space<hbm>>) target(%arg7 : memref<80x128xi32, #tpu.memory_space<vmem>>) target_semaphore(%run_scoped3A : memref<!tpu.dma_semaphore, #tpu.memory_space<semaphore_mem>>)
      %dma_wait3A = arith.constant 0 : i32
      %dma_wait3A_111 = arith.constant 0 : i32
      %dma_wait3A_112 = tpu.memref_slice %arg3[%add3A, %dma_wait3A, %dma_wait3A_111] : memref<32x80x128xi32, #tpu.memory_space<hbm>> -> memref<1x80x128xi32, #tpu.memory_space<hbm>>
      %dma_wait3A_113 = tpu.memref_squeeze %dma_wait3A_112 : memref<1x80x128xi32, #tpu.memory_space<hbm>> -> memref<80x128xi32, #tpu.memory_space<hbm>>
      %dma_wait3A_114 = arith.constant 0 : i32
      %dma_wait3A_115 = arith.constant 0 : i32
      %dma_wait3A_116 = tpu.memref_slice %arg3[%add3A, %dma_wait3A_114, %dma_wait3A_115] : memref<32x80x128xi32, #tpu.memory_space<hbm>> -> memref<1x80x128xi32, #tpu.memory_space<hbm>>
      %dma_wait3A_117 = tpu.memref_squeeze %dma_wait3A_116 : memref<1x80x128xi32, #tpu.memory_space<hbm>> -> memref<80x128xi32, #tpu.memory_space<hbm>>
      tpu.wait_dma2 semaphore(%run_scoped3A : memref<!tpu.dma_semaphore, #tpu.memory_space<semaphore_mem>>) src(%dma_wait3A_117 : memref<80x128xi32, #tpu.memory_space<hbm>>) dst(%arg7 : memref<80x128xi32, #tpu.memory_space<vmem>>)
      tpu.yield
    }) : () -> ()
    %mul3A_1 = arith.constant 640 : i32
    %mul3A_2 = arith.muli %arg1, %mul3A_1 : i32
    %mul3A_3 = arith.constant 640 : i32
    %mul3A_4 = arith.muli %arg1, %mul3A_3 : i32
    "tpu.region"() ({
      %run_scoped3A = tpu.sem_alloc : memref<!tpu.dma_semaphore, #tpu.memory_space<semaphore_mem>>
      %dma_start3A_103 = arith.constant 0 : i32
      %dma_start3A_104 = tpu.memref_slice %arg13[%mul3A_4, %dma_start3A_103] : memref<10240x128xf32, #tpu.memory_space<vmem_shared>> -> memref<640x128xf32, #tpu.memory_space<vmem_shared>>
      %dma_start3A_105 = arith.constant 0 : i32
      %dma_start3A_106 = tpu.memref_slice %arg5[%mul3A_2, %dma_start3A_105] : memref<10240x128xf32, #tpu.memory_space<hbm>> -> memref<640x128xf32, #tpu.memory_space<hbm>>
      tpu.enqueue_dma source(%dma_start3A_106 : memref<640x128xf32, #tpu.memory_space<hbm>>) target(%dma_start3A_104 : memref<640x128xf32, #tpu.memory_space<vmem_shared>>) target_semaphore(%run_scoped3A : memref<!tpu.dma_semaphore, #tpu.memory_space<semaphore_mem>>)
      %dma_wait3A = arith.constant 0 : i32
      %dma_wait3A_107 = tpu.memref_slice %arg13[%mul3A_4, %dma_wait3A] : memref<10240x128xf32, #tpu.memory_space<vmem_shared>> -> memref<640x128xf32, #tpu.memory_space<vmem_shared>>
      %dma_wait3A_108 = arith.constant 0 : i32
      %dma_wait3A_109 = tpu.memref_slice %arg5[%mul3A_2, %dma_wait3A_108] : memref<10240x128xf32, #tpu.memory_space<hbm>> -> memref<640x128xf32, #tpu.memory_space<hbm>>
      tpu.wait_dma2 semaphore(%run_scoped3A : memref<!tpu.dma_semaphore, #tpu.memory_space<semaphore_mem>>) src(%dma_wait3A_109 : memref<640x128xf32, #tpu.memory_space<hbm>>) dst(%dma_wait3A_107 : memref<640x128xf32, #tpu.memory_space<vmem_shared>>)
      tpu.yield
    }) : () -> ()
    %dma_start3A = arith.constant 0 : i32
    %dma_start3A_5 = arith.constant 0 : i32
    %dma_start3A_6 = arith.constant 0 : i32
    %dma_start3A_7 = arith.constant 0 : i32
    %dma_start3A_8 = tpu.memref_slice %arg10[%dma_start3A_5, %dma_start3A_7] : memref<4x128xi32, #tpu.memory_space<vmem>> -> memref<1x128xi32, #tpu.memory_space<vmem>>
    %dma_start3A_9 = tpu.memref_squeeze %dma_start3A_8 : memref<1x128xi32, #tpu.memory_space<vmem>> -> memref<128xi32, #tpu.memory_space<vmem>>
    %dma_start3A_10 = arith.constant 0 : i32
    %dma_start3A_11 = tpu.memref_slice %arg4[%add3A, %dma_start3A, %dma_start3A_10] : memref<32x80x128xi32, #tpu.memory_space<hbm>> -> memref<1x1x128xi32, #tpu.memory_space<hbm>>
    %dma_start3A_12 = tpu.memref_squeeze %dma_start3A_11 : memref<1x1x128xi32, #tpu.memory_space<hbm>> -> memref<128xi32, #tpu.memory_space<hbm>>
    %dma_start3A_13 = tpu.memref_slice %arg12[%dma_start3A_6] : memref<4x!tpu.dma_semaphore, #tpu.memory_space<semaphore_mem>> -> memref<1x!tpu.dma_semaphore, #tpu.memory_space<semaphore_mem>>
    %dma_start3A_14 = tpu.memref_squeeze %dma_start3A_13 : memref<1x!tpu.dma_semaphore, #tpu.memory_space<semaphore_mem>> -> memref<!tpu.dma_semaphore, #tpu.memory_space<semaphore_mem>>
    %dma_start3A_15 = arith.constant 0 : i32
    %dma_start3A_16 = tpu.memref_slice %arg10[%dma_start3A_5, %dma_start3A_15] : memref<4x128xi32, #tpu.memory_space<vmem>> -> memref<1x128xi32, #tpu.memory_space<vmem>>
    %dma_start3A_17 = tpu.memref_squeeze %dma_start3A_16 : memref<1x128xi32, #tpu.memory_space<vmem>> -> memref<128xi32, #tpu.memory_space<vmem>>
    %dma_start3A_18 = arith.constant 0 : i32
    %dma_start3A_19 = tpu.memref_slice %arg4[%add3A, %dma_start3A, %dma_start3A_18] : memref<32x80x128xi32, #tpu.memory_space<hbm>> -> memref<1x1x128xi32, #tpu.memory_space<hbm>>
    %dma_start3A_20 = tpu.memref_squeeze %dma_start3A_19 : memref<1x1x128xi32, #tpu.memory_space<hbm>> -> memref<128xi32, #tpu.memory_space<hbm>>
    tpu.enqueue_dma source(%dma_start3A_20 : memref<128xi32, #tpu.memory_space<hbm>>) target(%dma_start3A_17 : memref<128xi32, #tpu.memory_space<vmem>>) target_semaphore(%dma_start3A_14 : memref<!tpu.dma_semaphore, #tpu.memory_space<semaphore_mem>>)
    %dma_start3A_21 = arith.constant 1 : i32
    %dma_start3A_22 = arith.constant 1 : i32
    %dma_start3A_23 = arith.constant 1 : i32
    %dma_start3A_24 = arith.constant 0 : i32
    %dma_start3A_25 = tpu.memref_slice %arg10[%dma_start3A_22, %dma_start3A_24] : memref<4x128xi32, #tpu.memory_space<vmem>> -> memref<1x128xi32, #tpu.memory_space<vmem>>
    %dma_start3A_26 = tpu.memref_squeeze %dma_start3A_25 : memref<1x128xi32, #tpu.memory_space<vmem>> -> memref<128xi32, #tpu.memory_space<vmem>>
    %dma_start3A_27 = arith.constant 0 : i32
    %dma_start3A_28 = tpu.memref_slice %arg4[%add3A, %dma_start3A_21, %dma_start3A_27] : memref<32x80x128xi32, #tpu.memory_space<hbm>> -> memref<1x1x128xi32, #tpu.memory_space<hbm>>
    %dma_start3A_29 = tpu.memref_squeeze %dma_start3A_28 : memref<1x1x128xi32, #tpu.memory_space<hbm>> -> memref<128xi32, #tpu.memory_space<hbm>>
    %dma_start3A_30 = tpu.memref_slice %arg12[%dma_start3A_23] : memref<4x!tpu.dma_semaphore, #tpu.memory_space<semaphore_mem>> -> memref<1x!tpu.dma_semaphore, #tpu.memory_space<semaphore_mem>>
    %dma_start3A_31 = tpu.memref_squeeze %dma_start3A_30 : memref<1x!tpu.dma_semaphore, #tpu.memory_space<semaphore_mem>> -> memref<!tpu.dma_semaphore, #tpu.memory_space<semaphore_mem>>
    %dma_start3A_32 = arith.constant 0 : i32
    %dma_start3A_33 = tpu.memref_slice %arg10[%dma_start3A_22, %dma_start3A_32] : memref<4x128xi32, #tpu.memory_space<vmem>> -> memref<1x128xi32, #tpu.memory_space<vmem>>
    %dma_start3A_34 = tpu.memref_squeeze %dma_start3A_33 : memref<1x128xi32, #tpu.memory_space<vmem>> -> memref<128xi32, #tpu.memory_space<vmem>>
    %dma_start3A_35 = arith.constant 0 : i32
    %dma_start3A_36 = tpu.memref_slice %arg4[%add3A, %dma_start3A_21, %dma_start3A_35] : memref<32x80x128xi32, #tpu.memory_space<hbm>> -> memref<1x1x128xi32, #tpu.memory_space<hbm>>
    %dma_start3A_37 = tpu.memref_squeeze %dma_start3A_36 : memref<1x1x128xi32, #tpu.memory_space<hbm>> -> memref<128xi32, #tpu.memory_space<hbm>>
    tpu.enqueue_dma source(%dma_start3A_37 : memref<128xi32, #tpu.memory_space<hbm>>) target(%dma_start3A_34 : memref<128xi32, #tpu.memory_space<vmem>>) target_semaphore(%dma_start3A_31 : memref<!tpu.dma_semaphore, #tpu.memory_space<semaphore_mem>>)
    %dma_start3A_38 = arith.constant 2 : i32
    %dma_start3A_39 = arith.constant 2 : i32
    %dma_start3A_40 = arith.constant 2 : i32
    %dma_start3A_41 = arith.constant 0 : i32
    %dma_start3A_42 = tpu.memref_slice %arg10[%dma_start3A_39, %dma_start3A_41] : memref<4x128xi32, #tpu.memory_space<vmem>> -> memref<1x128xi32, #tpu.memory_space<vmem>>
    %dma_start3A_43 = tpu.memref_squeeze %dma_start3A_42 : memref<1x128xi32, #tpu.memory_space<vmem>> -> memref<128xi32, #tpu.memory_space<vmem>>
    %dma_start3A_44 = arith.constant 0 : i32
    %dma_start3A_45 = tpu.memref_slice %arg4[%add3A, %dma_start3A_38, %dma_start3A_44] : memref<32x80x128xi32, #tpu.memory_space<hbm>> -> memref<1x1x128xi32, #tpu.memory_space<hbm>>
    %dma_start3A_46 = tpu.memref_squeeze %dma_start3A_45 : memref<1x1x128xi32, #tpu.memory_space<hbm>> -> memref<128xi32, #tpu.memory_space<hbm>>
    %dma_start3A_47 = tpu.memref_slice %arg12[%dma_start3A_40] : memref<4x!tpu.dma_semaphore, #tpu.memory_space<semaphore_mem>> -> memref<1x!tpu.dma_semaphore, #tpu.memory_space<semaphore_mem>>
    %dma_start3A_48 = tpu.memref_squeeze %dma_start3A_47 : memref<1x!tpu.dma_semaphore, #tpu.memory_space<semaphore_mem>> -> memref<!tpu.dma_semaphore, #tpu.memory_space<semaphore_mem>>
    %dma_start3A_49 = arith.constant 0 : i32
    %dma_start3A_50 = tpu.memref_slice %arg10[%dma_start3A_39, %dma_start3A_49] : memref<4x128xi32, #tpu.memory_space<vmem>> -> memref<1x128xi32, #tpu.memory_space<vmem>>
    %dma_start3A_51 = tpu.memref_squeeze %dma_start3A_50 : memref<1x128xi32, #tpu.memory_space<vmem>> -> memref<128xi32, #tpu.memory_space<vmem>>
    %dma_start3A_52 = arith.constant 0 : i32
    %dma_start3A_53 = tpu.memref_slice %arg4[%add3A, %dma_start3A_38, %dma_start3A_52] : memref<32x80x128xi32, #tpu.memory_space<hbm>> -> memref<1x1x128xi32, #tpu.memory_space<hbm>>
    %dma_start3A_54 = tpu.memref_squeeze %dma_start3A_53 : memref<1x1x128xi32, #tpu.memory_space<hbm>> -> memref<128xi32, #tpu.memory_space<hbm>>
    tpu.enqueue_dma source(%dma_start3A_54 : memref<128xi32, #tpu.memory_space<hbm>>) target(%dma_start3A_51 : memref<128xi32, #tpu.memory_space<vmem>>) target_semaphore(%dma_start3A_48 : memref<!tpu.dma_semaphore, #tpu.memory_space<semaphore_mem>>)
    %dma_start3A_55 = arith.constant 3 : i32
    %dma_start3A_56 = arith.constant 3 : i32
    %dma_start3A_57 = arith.constant 3 : i32
    %dma_start3A_58 = arith.constant 0 : i32
    %dma_start3A_59 = tpu.memref_slice %arg10[%dma_start3A_56, %dma_start3A_58] : memref<4x128xi32, #tpu.memory_space<vmem>> -> memref<1x128xi32, #tpu.memory_space<vmem>>
    %dma_start3A_60 = tpu.memref_squeeze %dma_start3A_59 : memref<1x128xi32, #tpu.memory_space<vmem>> -> memref<128xi32, #tpu.memory_space<vmem>>
    %dma_start3A_61 = arith.constant 0 : i32
    %dma_start3A_62 = tpu.memref_slice %arg4[%add3A, %dma_start3A_55, %dma_start3A_61] : memref<32x80x128xi32, #tpu.memory_space<hbm>> -> memref<1x1x128xi32, #tpu.memory_space<hbm>>
    %dma_start3A_63 = tpu.memref_squeeze %dma_start3A_62 : memref<1x1x128xi32, #tpu.memory_space<hbm>> -> memref<128xi32, #tpu.memory_space<hbm>>
    %dma_start3A_64 = tpu.memref_slice %arg12[%dma_start3A_57] : memref<4x!tpu.dma_semaphore, #tpu.memory_space<semaphore_mem>> -> memref<1x!tpu.dma_semaphore, #tpu.memory_space<semaphore_mem>>
    %dma_start3A_65 = tpu.memref_squeeze %dma_start3A_64 : memref<1x!tpu.dma_semaphore, #tpu.memory_space<semaphore_mem>> -> memref<!tpu.dma_semaphore, #tpu.memory_space<semaphore_mem>>
    %dma_start3A_66 = arith.constant 0 : i32
    %dma_start3A_67 = tpu.memref_slice %arg10[%dma_start3A_56, %dma_start3A_66] : memref<4x128xi32, #tpu.memory_space<vmem>> -> memref<1x128xi32, #tpu.memory_space<vmem>>
    %dma_start3A_68 = tpu.memref_squeeze %dma_start3A_67 : memref<1x128xi32, #tpu.memory_space<vmem>> -> memref<128xi32, #tpu.memory_space<vmem>>
    %dma_start3A_69 = arith.constant 0 : i32
    %dma_start3A_70 = tpu.memref_slice %arg4[%add3A, %dma_start3A_55, %dma_start3A_69] : memref<32x80x128xi32, #tpu.memory_space<hbm>> -> memref<1x1x128xi32, #tpu.memory_space<hbm>>
    %dma_start3A_71 = tpu.memref_squeeze %dma_start3A_70 : memref<1x1x128xi32, #tpu.memory_space<hbm>> -> memref<128xi32, #tpu.memory_space<hbm>>
    tpu.enqueue_dma source(%dma_start3A_71 : memref<128xi32, #tpu.memory_space<hbm>>) target(%dma_start3A_68 : memref<128xi32, #tpu.memory_space<vmem>>) target_semaphore(%dma_start3A_65 : memref<!tpu.dma_semaphore, #tpu.memory_space<semaphore_mem>>)
    %dma_start3A_72 = arith.constant 0 : i32
    %dma_start3A_73 = arith.constant 0 : i32
    %dma_start3A_74 = arith.constant 0 : i32
    %dma_start3A_75 = tpu.memref_slice %arg7[%dma_start3A_72, %dma_start3A_74] : memref<80x128xi32, #tpu.memory_space<vmem>> -> memref<1x128xi32, #tpu.memory_space<vmem>>
    %dma_start3A_76 = tpu.memref_squeeze %dma_start3A_75 : memref<1x128xi32, #tpu.memory_space<vmem>> -> memref<128xi32, #tpu.memory_space<vmem>>
    %dma_start3A_77 = arith.constant 0 : i32
    %dma_start3A_78 = arith.constant 0 : i32
    %dma_start3A_79 = tpu.memref_slice %arg2[%dma_start3A_77, %dma_start3A_78] : memref<10000x128xf32, #tpu.memory_space<hbm>> -> memref<10000x128xf32, #tpu.memory_space<hbm>>
    %dma_start3A_80 = tpu.memref_slice %arg11[%dma_start3A_73] : memref<2x!tpu.dma_semaphore, #tpu.memory_space<semaphore_mem>> -> memref<1x!tpu.dma_semaphore, #tpu.memory_space<semaphore_mem>>
    %dma_start3A_81 = tpu.memref_squeeze %dma_start3A_80 : memref<1x!tpu.dma_semaphore, #tpu.memory_space<semaphore_mem>> -> memref<!tpu.dma_semaphore, #tpu.memory_space<semaphore_mem>>
    tpu.enqueue_indirect_dma source(%dma_start3A_79 : memref<10000x128xf32, #tpu.memory_space<hbm>>) target(%arg8 : memref<128x128xf32, #tpu.memory_space<vmem>>) offsets(%dma_start3A_76 : memref<128xi32, #tpu.memory_space<vmem>>) semaphore(%dma_start3A_81 : memref<!tpu.dma_semaphore, #tpu.memory_space<semaphore_mem>>)
    %dma_start3A_82 = arith.constant 1 : i32
    %dma_start3A_83 = arith.constant 1 : i32
    %dma_start3A_84 = arith.constant 0 : i32
    %dma_start3A_85 = tpu.memref_slice %arg7[%dma_start3A_82, %dma_start3A_84] : memref<80x128xi32, #tpu.memory_space<vmem>> -> memref<1x128xi32, #tpu.memory_space<vmem>>
    %dma_start3A_86 = tpu.memref_squeeze %dma_start3A_85 : memref<1x128xi32, #tpu.memory_space<vmem>> -> memref<128xi32, #tpu.memory_space<vmem>>
    %dma_start3A_87 = arith.constant 0 : i32
    %dma_start3A_88 = arith.constant 0 : i32
    %dma_start3A_89 = tpu.memref_slice %arg2[%dma_start3A_87, %dma_start3A_88] : memref<10000x128xf32, #tpu.memory_space<hbm>> -> memref<10000x128xf32, #tpu.memory_space<hbm>>
    %dma_start3A_90 = tpu.memref_slice %arg11[%dma_start3A_83] : memref<2x!tpu.dma_semaphore, #tpu.memory_space<semaphore_mem>> -> memref<1x!tpu.dma_semaphore, #tpu.memory_space<semaphore_mem>>
    %dma_start3A_91 = tpu.memref_squeeze %dma_start3A_90 : memref<1x!tpu.dma_semaphore, #tpu.memory_space<semaphore_mem>> -> memref<!tpu.dma_semaphore, #tpu.memory_space<semaphore_mem>>
    tpu.enqueue_indirect_dma source(%dma_start3A_89 : memref<10000x128xf32, #tpu.memory_space<hbm>>) target(%arg9 : memref<128x128xf32, #tpu.memory_space<vmem>>) offsets(%dma_start3A_86 : memref<128xi32, #tpu.memory_space<vmem>>) semaphore(%dma_start3A_91 : memref<!tpu.dma_semaphore, #tpu.memory_space<semaphore_mem>>)
    %barrier3A = arith.constant 0 : index
    tpu.barrier barrier_id(%barrier3A)
    %scan3A = arith.constant 0 : i32
    %scan3A_92 = arith.constant 0 : i32
    %scan3A_93 = arith.constant 40 : i32
    %scan3A_94 = arith.addi %scan3A_92, %scan3A_93 : i32
    %scan3A_95 = arith.constant 1 : i32
    %scan3A_96 = scf.for %scan3A_103 = %scan3A_92 to %scan3A_94 step %scan3A_95 iter_args(%scan3A_104 = %scan3A) -> (i32)  : i32 {
      %mul3A_105 = arith.constant 2 : i32
      %mul3A_106 = arith.muli %scan3A_103, %mul3A_105 : i32
      %add3A_107 = arith.constant 0 : i32
      %add3A_108 = arith.addi %mul3A_106, %add3A_107 : i32
      %jit3A = arith.constant 4 : i32
      %eq3A = arith.constant 0 : i32
      %eq3A_109 = arith.cmpi eq, %jit3A, %eq3A : i32
      %jit3A_110 = arith.constant 1 : i32
      %select_n3A = arith.select %eq3A_109, %jit3A_110, %jit3A : i32
      %rem3A = arith.remsi %add3A_108, %select_n3A : i32
      %ne3A = arith.constant 0 : i32
      %ne3A_111 = arith.cmpi ne, %rem3A, %ne3A : i32
      %lt3A = arith.constant 0 : i32
      %lt3A_112 = arith.cmpi slt, %rem3A, %lt3A : i32
      %lt3A_113 = arith.constant 0 : i32
      %lt3A_114 = arith.cmpi slt, %select_n3A, %lt3A_113 : i32
      %ne3A_115 = arith.xori %lt3A_112, %lt3A_114 : i1
      %and3A = arith.andi %ne3A_115, %ne3A_111 : i1
      %add3A_116 = arith.addi %rem3A, %select_n3A : i32
      %select_n3A_117 = arith.select %and3A, %add3A_116, %rem3A : i32
      %dma_wait3A = arith.constant 0 : i32
      %dma_wait3A_118 = arith.constant 0 : i32
      %dma_wait3A_119 = tpu.memref_slice %arg7[%add3A_108, %dma_wait3A_118] : memref<80x128xi32, #tpu.memory_space<vmem>> -> memref<1x128xi32, #tpu.memory_space<vmem>>
      %dma_wait3A_120 = tpu.memref_squeeze %dma_wait3A_119 : memref<1x128xi32, #tpu.memory_space<vmem>> -> memref<128xi32, #tpu.memory_space<vmem>>
      %dma_wait3A_121 = arith.constant 0 : i32
      %dma_wait3A_122 = arith.constant 0 : i32
      %dma_wait3A_123 = tpu.memref_slice %arg2[%dma_wait3A_121, %dma_wait3A_122] : memref<10000x128xf32, #tpu.memory_space<hbm>> -> memref<10000x128xf32, #tpu.memory_space<hbm>>
      %dma_wait3A_124 = tpu.memref_slice %arg11[%dma_wait3A] : memref<2x!tpu.dma_semaphore, #tpu.memory_space<semaphore_mem>> -> memref<1x!tpu.dma_semaphore, #tpu.memory_space<semaphore_mem>>
      %dma_wait3A_125 = tpu.memref_squeeze %dma_wait3A_124 : memref<1x!tpu.dma_semaphore, #tpu.memory_space<semaphore_mem>> -> memref<!tpu.dma_semaphore, #tpu.memory_space<semaphore_mem>>
      tpu.wait_indirect_dma semaphore(%dma_wait3A_125 : memref<!tpu.dma_semaphore, #tpu.memory_space<semaphore_mem>>) src(%dma_wait3A_123 : memref<10000x128xf32, #tpu.memory_space<hbm>>) dst(%arg8 : memref<128x128xf32, #tpu.memory_space<vmem>>)
      %dma_wait3A_126 = arith.constant 0 : i32
      %dma_wait3A_127 = tpu.memref_slice %arg10[%select_n3A_117, %dma_wait3A_126] : memref<4x128xi32, #tpu.memory_space<vmem>> -> memref<1x128xi32, #tpu.memory_space<vmem>>
      %dma_wait3A_128 = tpu.memref_squeeze %dma_wait3A_127 : memref<1x128xi32, #tpu.memory_space<vmem>> -> memref<128xi32, #tpu.memory_space<vmem>>
      %dma_wait3A_129 = arith.constant 0 : i32
      %dma_wait3A_130 = tpu.memref_slice %arg4[%add3A, %add3A_108, %dma_wait3A_129] : memref<32x80x128xi32, #tpu.memory_space<hbm>> -> memref<1x1x128xi32, #tpu.memory_space<hbm>>
      %dma_wait3A_131 = tpu.memref_squeeze %dma_wait3A_130 : memref<1x1x128xi32, #tpu.memory_space<hbm>> -> memref<128xi32, #tpu.memory_space<hbm>>
      %dma_wait3A_132 = tpu.memref_slice %arg12[%select_n3A_117] : memref<4x!tpu.dma_semaphore, #tpu.memory_space<semaphore_mem>> -> memref<1x!tpu.dma_semaphore, #tpu.memory_space<semaphore_mem>>
      %dma_wait3A_133 = tpu.memref_squeeze %dma_wait3A_132 : memref<1x!tpu.dma_semaphore, #tpu.memory_space<semaphore_mem>> -> memref<!tpu.dma_semaphore, #tpu.memory_space<semaphore_mem>>
      %dma_wait3A_134 = arith.constant 0 : i32
      %dma_wait3A_135 = tpu.memref_slice %arg10[%select_n3A_117, %dma_wait3A_134] : memref<4x128xi32, #tpu.memory_space<vmem>> -> memref<1x128xi32, #tpu.memory_space<vmem>>
      %dma_wait3A_136 = tpu.memref_squeeze %dma_wait3A_135 : memref<1x128xi32, #tpu.memory_space<vmem>> -> memref<128xi32, #tpu.memory_space<vmem>>
      %dma_wait3A_137 = arith.constant 0 : i32
      %dma_wait3A_138 = tpu.memref_slice %arg4[%add3A, %add3A_108, %dma_wait3A_137] : memref<32x80x128xi32, #tpu.memory_space<hbm>> -> memref<1x1x128xi32, #tpu.memory_space<hbm>>
      %dma_wait3A_139 = tpu.memref_squeeze %dma_wait3A_138 : memref<1x1x128xi32, #tpu.memory_space<hbm>> -> memref<128xi32, #tpu.memory_space<hbm>>
      tpu.wait_dma2 semaphore(%dma_wait3A_133 : memref<!tpu.dma_semaphore, #tpu.memory_space<semaphore_mem>>) src(%dma_wait3A_139 : memref<128xi32, #tpu.memory_space<hbm>>) dst(%dma_wait3A_136 : memref<128xi32, #tpu.memory_space<vmem>>)
      "tpu.region"() ({
        %run_scoped3A = tpu.sem_alloc : memref<!tpu.dma_semaphore, #tpu.memory_space<semaphore_mem>>
        %dma_start3A_208 = arith.constant 0 : i32
        %dma_start3A_209 = tpu.memref_slice %arg10[%select_n3A_117, %dma_start3A_208] : memref<4x128xi32, #tpu.memory_space<vmem>> -> memref<1x128xi32, #tpu.memory_space<vmem>>
        %dma_start3A_210 = tpu.memref_squeeze %dma_start3A_209 : memref<1x128xi32, #tpu.memory_space<vmem>> -> memref<128xi32, #tpu.memory_space<vmem>>
        %dma_start3A_211 = arith.constant 0 : i32
        %dma_start3A_212 = arith.constant 0 : i32
        %dma_start3A_213 = tpu.memref_slice %arg13[%dma_start3A_211, %dma_start3A_212] : memref<10240x128xf32, #tpu.memory_space<vmem_shared>> -> memref<10240x128xf32, #tpu.memory_space<vmem_shared>>
        tpu.enqueue_indirect_dma source(%arg8 : memref<128x128xf32, #tpu.memory_space<vmem>>) target(%dma_start3A_213 : memref<10240x128xf32, #tpu.memory_space<vmem_shared>>) offsets(%dma_start3A_210 : memref<128xi32, #tpu.memory_space<vmem>>) semaphore(%run_scoped3A : memref<!tpu.dma_semaphore, #tpu.memory_space<semaphore_mem>>) {add = true}
        %dma_wait3A_214 = arith.constant 0 : i32
        %dma_wait3A_215 = tpu.memref_slice %arg10[%select_n3A_117, %dma_wait3A_214] : memref<4x128xi32, #tpu.memory_space<vmem>> -> memref<1x128xi32, #tpu.memory_space<vmem>>
        %dma_wait3A_216 = tpu.memref_squeeze %dma_wait3A_215 : memref<1x128xi32, #tpu.memory_space<vmem>> -> memref<128xi32, #tpu.memory_space<vmem>>
        %dma_wait3A_217 = arith.constant 0 : i32
        %dma_wait3A_218 = arith.constant 0 : i32
        %dma_wait3A_219 = tpu.memref_slice %arg13[%dma_wait3A_217, %dma_wait3A_218] : memref<10240x128xf32, #tpu.memory_space<vmem_shared>> -> memref<10240x128xf32, #tpu.memory_space<vmem_shared>>
        tpu.wait_indirect_dma semaphore(%run_scoped3A : memref<!tpu.dma_semaphore, #tpu.memory_space<semaphore_mem>>) src(%arg8 : memref<128x128xf32, #tpu.memory_space<vmem>>) dst(%dma_wait3A_219 : memref<10240x128xf32, #tpu.memory_space<vmem_shared>>)
        tpu.yield
      }) : () -> ()
      %add3A_140 = arith.constant 4 : i32
      %add3A_141 = arith.addi %add3A_108, %add3A_140 : i32
      %lt3A_142 = arith.constant 80 : i32
      %lt3A_143 = arith.cmpi slt, %add3A_141, %lt3A_142 : i32
      %convert_element_type3A = arith.extui %lt3A_143 : i1 to i32
      %cond3A = arith.constant 0 : i32
      %cond3A_144 = arith.cmpi ne, %convert_element_type3A, %cond3A : i32
      scf.if %cond3A_144 {
        %add3A_208 = arith.constant 4 : i32
        %add3A_209 = arith.addi %add3A_108, %add3A_208 : i32
        %dma_start3A_210 = arith.constant 0 : i32
        %dma_start3A_211 = tpu.memref_slice %arg10[%select_n3A_117, %dma_start3A_210] : memref<4x128xi32, #tpu.memory_space<vmem>> -> memref<1x128xi32, #tpu.memory_space<vmem>>
        %dma_start3A_212 = tpu.memref_squeeze %dma_start3A_211 : memref<1x128xi32, #tpu.memory_space<vmem>> -> memref<128xi32, #tpu.memory_space<vmem>>
        %dma_start3A_213 = arith.constant 0 : i32
        %dma_start3A_214 = tpu.memref_slice %arg4[%add3A, %add3A_209, %dma_start3A_213] : memref<32x80x128xi32, #tpu.memory_space<hbm>> -> memref<1x1x128xi32, #tpu.memory_space<hbm>>
        %dma_start3A_215 = tpu.memref_squeeze %dma_start3A_214 : memref<1x1x128xi32, #tpu.memory_space<hbm>> -> memref<128xi32, #tpu.memory_space<hbm>>
        %dma_start3A_216 = tpu.memref_slice %arg12[%select_n3A_117] : memref<4x!tpu.dma_semaphore, #tpu.memory_space<semaphore_mem>> -> memref<1x!tpu.dma_semaphore, #tpu.memory_space<semaphore_mem>>
        %dma_start3A_217 = tpu.memref_squeeze %dma_start3A_216 : memref<1x!tpu.dma_semaphore, #tpu.memory_space<semaphore_mem>> -> memref<!tpu.dma_semaphore, #tpu.memory_space<semaphore_mem>>
        %dma_start3A_218 = arith.constant 0 : i32
        %dma_start3A_219 = tpu.memref_slice %arg10[%select_n3A_117, %dma_start3A_218] : memref<4x128xi32, #tpu.memory_space<vmem>> -> memref<1x128xi32, #tpu.memory_space<vmem>>
        %dma_start3A_220 = tpu.memref_squeeze %dma_start3A_219 : memref<1x128xi32, #tpu.memory_space<vmem>> -> memref<128xi32, #tpu.memory_space<vmem>>
        %dma_start3A_221 = arith.constant 0 : i32
        %dma_start3A_222 = tpu.memref_slice %arg4[%add3A, %add3A_209, %dma_start3A_221] : memref<32x80x128xi32, #tpu.memory_space<hbm>> -> memref<1x1x128xi32, #tpu.memory_space<hbm>>
        %dma_start3A_223 = tpu.memref_squeeze %dma_start3A_222 : memref<1x1x128xi32, #tpu.memory_space<hbm>> -> memref<128xi32, #tpu.memory_space<hbm>>
        tpu.enqueue_dma source(%dma_start3A_223 : memref<128xi32, #tpu.memory_space<hbm>>) target(%dma_start3A_220 : memref<128xi32, #tpu.memory_space<vmem>>) target_semaphore(%dma_start3A_217 : memref<!tpu.dma_semaphore, #tpu.memory_space<semaphore_mem>>)
      } else {
      }
      %add3A_145 = arith.constant 2 : i32
      %add3A_146 = arith.addi %add3A_108, %add3A_145 : i32
      %lt3A_147 = arith.constant 80 : i32
      %lt3A_148 = arith.cmpi slt, %add3A_146, %lt3A_147 : i32
      %convert_element_type3A_149 = arith.extui %lt3A_148 : i1 to i32
      %cond3A_150 = arith.constant 0 : i32
      %cond3A_151 = arith.cmpi ne, %convert_element_type3A_149, %cond3A_150 : i32
      scf.if %cond3A_151 {
        %add3A_208 = arith.constant 2 : i32
        %add3A_209 = arith.addi %add3A_108, %add3A_208 : i32
        %dma_start3A_210 = arith.constant 0 : i32
        %dma_start3A_211 = arith.constant 0 : i32
        %dma_start3A_212 = tpu.memref_slice %arg7[%add3A_209, %dma_start3A_211] : memref<80x128xi32, #tpu.memory_space<vmem>> -> memref<1x128xi32, #tpu.memory_space<vmem>>
        %dma_start3A_213 = tpu.memref_squeeze %dma_start3A_212 : memref<1x128xi32, #tpu.memory_space<vmem>> -> memref<128xi32, #tpu.memory_space<vmem>>
        %dma_start3A_214 = arith.constant 0 : i32
        %dma_start3A_215 = arith.constant 0 : i32
        %dma_start3A_216 = tpu.memref_slice %arg2[%dma_start3A_214, %dma_start3A_215] : memref<10000x128xf32, #tpu.memory_space<hbm>> -> memref<10000x128xf32, #tpu.memory_space<hbm>>
        %dma_start3A_217 = tpu.memref_slice %arg11[%dma_start3A_210] : memref<2x!tpu.dma_semaphore, #tpu.memory_space<semaphore_mem>> -> memref<1x!tpu.dma_semaphore, #tpu.memory_space<semaphore_mem>>
        %dma_start3A_218 = tpu.memref_squeeze %dma_start3A_217 : memref<1x!tpu.dma_semaphore, #tpu.memory_space<semaphore_mem>> -> memref<!tpu.dma_semaphore, #tpu.memory_space<semaphore_mem>>
        tpu.enqueue_indirect_dma source(%dma_start3A_216 : memref<10000x128xf32, #tpu.memory_space<hbm>>) target(%arg8 : memref<128x128xf32, #tpu.memory_space<vmem>>) offsets(%dma_start3A_213 : memref<128xi32, #tpu.memory_space<vmem>>) semaphore(%dma_start3A_218 : memref<!tpu.dma_semaphore, #tpu.memory_space<semaphore_mem>>)
      } else {
      }
      %add3A_152 = arith.constant 1 : i32
      %add3A_153 = arith.addi %mul3A_106, %add3A_152 : i32
      %jit3A_154 = arith.constant 4 : i32
      %eq3A_155 = arith.constant 0 : i32
      %eq3A_156 = arith.cmpi eq, %jit3A_154, %eq3A_155 : i32
      %jit3A_157 = arith.constant 1 : i32
      %select_n3A_158 = arith.select %eq3A_156, %jit3A_157, %jit3A_154 : i32
      %rem3A_159 = arith.remsi %add3A_153, %select_n3A_158 : i32
      %ne3A_160 = arith.constant 0 : i32
      %ne3A_161 = arith.cmpi ne, %rem3A_159, %ne3A_160 : i32
      %lt3A_162 = arith.constant 0 : i32
      %lt3A_163 = arith.cmpi slt, %rem3A_159, %lt3A_162 : i32
      %lt3A_164 = arith.constant 0 : i32
      %lt3A_165 = arith.cmpi slt, %select_n3A_158, %lt3A_164 : i32
      %ne3A_166 = arith.xori %lt3A_163, %lt3A_165 : i1
      %and3A_167 = arith.andi %ne3A_166, %ne3A_161 : i1
      %add3A_168 = arith.addi %rem3A_159, %select_n3A_158 : i32
      %select_n3A_169 = arith.select %and3A_167, %add3A_168, %rem3A_159 : i32
      %dma_wait3A_170 = arith.constant 1 : i32
      %dma_wait3A_171 = arith.constant 0 : i32
      %dma_wait3A_172 = tpu.memref_slice %arg7[%add3A_153, %dma_wait3A_171] : memref<80x128xi32, #tpu.memory_space<vmem>> -> memref<1x128xi32, #tpu.memory_space<vmem>>
      %dma_wait3A_173 = tpu.memref_squeeze %dma_wait3A_172 : memref<1x128xi32, #tpu.memory_space<vmem>> -> memref<128xi32, #tpu.memory_space<vmem>>
      %dma_wait3A_174 = arith.constant 0 : i32
      %dma_wait3A_175 = arith.constant 0 : i32
      %dma_wait3A_176 = tpu.memref_slice %arg2[%dma_wait3A_174, %dma_wait3A_175] : memref<10000x128xf32, #tpu.memory_space<hbm>> -> memref<10000x128xf32, #tpu.memory_space<hbm>>
      %dma_wait3A_177 = tpu.memref_slice %arg11[%dma_wait3A_170] : memref<2x!tpu.dma_semaphore, #tpu.memory_space<semaphore_mem>> -> memref<1x!tpu.dma_semaphore, #tpu.memory_space<semaphore_mem>>
      %dma_wait3A_178 = tpu.memref_squeeze %dma_wait3A_177 : memref<1x!tpu.dma_semaphore, #tpu.memory_space<semaphore_mem>> -> memref<!tpu.dma_semaphore, #tpu.memory_space<semaphore_mem>>
      tpu.wait_indirect_dma semaphore(%dma_wait3A_178 : memref<!tpu.dma_semaphore, #tpu.memory_space<semaphore_mem>>) src(%dma_wait3A_176 : memref<10000x128xf32, #tpu.memory_space<hbm>>) dst(%arg9 : memref<128x128xf32, #tpu.memory_space<vmem>>)
      %dma_wait3A_179 = arith.constant 0 : i32
      %dma_wait3A_180 = tpu.memref_slice %arg10[%select_n3A_169, %dma_wait3A_179] : memref<4x128xi32, #tpu.memory_space<vmem>> -> memref<1x128xi32, #tpu.memory_space<vmem>>
      %dma_wait3A_181 = tpu.memref_squeeze %dma_wait3A_180 : memref<1x128xi32, #tpu.memory_space<vmem>> -> memref<128xi32, #tpu.memory_space<vmem>>
      %dma_wait3A_182 = arith.constant 0 : i32
      %dma_wait3A_183 = tpu.memref_slice %arg4[%add3A, %add3A_153, %dma_wait3A_182] : memref<32x80x128xi32, #tpu.memory_space<hbm>> -> memref<1x1x128xi32, #tpu.memory_space<hbm>>
      %dma_wait3A_184 = tpu.memref_squeeze %dma_wait3A_183 : memref<1x1x128xi32, #tpu.memory_space<hbm>> -> memref<128xi32, #tpu.memory_space<hbm>>
      %dma_wait3A_185 = tpu.memref_slice %arg12[%select_n3A_169] : memref<4x!tpu.dma_semaphore, #tpu.memory_space<semaphore_mem>> -> memref<1x!tpu.dma_semaphore, #tpu.memory_space<semaphore_mem>>
      %dma_wait3A_186 = tpu.memref_squeeze %dma_wait3A_185 : memref<1x!tpu.dma_semaphore, #tpu.memory_space<semaphore_mem>> -> memref<!tpu.dma_semaphore, #tpu.memory_space<semaphore_mem>>
      %dma_wait3A_187 = arith.constant 0 : i32
      %dma_wait3A_188 = tpu.memref_slice %arg10[%select_n3A_169, %dma_wait3A_187] : memref<4x128xi32, #tpu.memory_space<vmem>> -> memref<1x128xi32, #tpu.memory_space<vmem>>
      %dma_wait3A_189 = tpu.memref_squeeze %dma_wait3A_188 : memref<1x128xi32, #tpu.memory_space<vmem>> -> memref<128xi32, #tpu.memory_space<vmem>>
      %dma_wait3A_190 = arith.constant 0 : i32
      %dma_wait3A_191 = tpu.memref_slice %arg4[%add3A, %add3A_153, %dma_wait3A_190] : memref<32x80x128xi32, #tpu.memory_space<hbm>> -> memref<1x1x128xi32, #tpu.memory_space<hbm>>
      %dma_wait3A_192 = tpu.memref_squeeze %dma_wait3A_191 : memref<1x1x128xi32, #tpu.memory_space<hbm>> -> memref<128xi32, #tpu.memory_space<hbm>>
      tpu.wait_dma2 semaphore(%dma_wait3A_186 : memref<!tpu.dma_semaphore, #tpu.memory_space<semaphore_mem>>) src(%dma_wait3A_192 : memref<128xi32, #tpu.memory_space<hbm>>) dst(%dma_wait3A_189 : memref<128xi32, #tpu.memory_space<vmem>>)
      "tpu.region"() ({
        %run_scoped3A = tpu.sem_alloc : memref<!tpu.dma_semaphore, #tpu.memory_space<semaphore_mem>>
        %dma_start3A_208 = arith.constant 0 : i32
        %dma_start3A_209 = tpu.memref_slice %arg10[%select_n3A_169, %dma_start3A_208] : memref<4x128xi32, #tpu.memory_space<vmem>> -> memref<1x128xi32, #tpu.memory_space<vmem>>
        %dma_start3A_210 = tpu.memref_squeeze %dma_start3A_209 : memref<1x128xi32, #tpu.memory_space<vmem>> -> memref<128xi32, #tpu.memory_space<vmem>>
        %dma_start3A_211 = arith.constant 0 : i32
        %dma_start3A_212 = arith.constant 0 : i32
        %dma_start3A_213 = tpu.memref_slice %arg13[%dma_start3A_211, %dma_start3A_212] : memref<10240x128xf32, #tpu.memory_space<vmem_shared>> -> memref<10240x128xf32, #tpu.memory_space<vmem_shared>>
        tpu.enqueue_indirect_dma source(%arg9 : memref<128x128xf32, #tpu.memory_space<vmem>>) target(%dma_start3A_213 : memref<10240x128xf32, #tpu.memory_space<vmem_shared>>) offsets(%dma_start3A_210 : memref<128xi32, #tpu.memory_space<vmem>>) semaphore(%run_scoped3A : memref<!tpu.dma_semaphore, #tpu.memory_space<semaphore_mem>>) {add = true}
        %dma_wait3A_214 = arith.constant 0 : i32
        %dma_wait3A_215 = tpu.memref_slice %arg10[%select_n3A_169, %dma_wait3A_214] : memref<4x128xi32, #tpu.memory_space<vmem>> -> memref<1x128xi32, #tpu.memory_space<vmem>>
        %dma_wait3A_216 = tpu.memref_squeeze %dma_wait3A_215 : memref<1x128xi32, #tpu.memory_space<vmem>> -> memref<128xi32, #tpu.memory_space<vmem>>
        %dma_wait3A_217 = arith.constant 0 : i32
        %dma_wait3A_218 = arith.constant 0 : i32
        %dma_wait3A_219 = tpu.memref_slice %arg13[%dma_wait3A_217, %dma_wait3A_218] : memref<10240x128xf32, #tpu.memory_space<vmem_shared>> -> memref<10240x128xf32, #tpu.memory_space<vmem_shared>>
        tpu.wait_indirect_dma semaphore(%run_scoped3A : memref<!tpu.dma_semaphore, #tpu.memory_space<semaphore_mem>>) src(%arg9 : memref<128x128xf32, #tpu.memory_space<vmem>>) dst(%dma_wait3A_219 : memref<10240x128xf32, #tpu.memory_space<vmem_shared>>)
        tpu.yield
      }) : () -> ()
      %add3A_193 = arith.constant 4 : i32
      %add3A_194 = arith.addi %add3A_153, %add3A_193 : i32
      %lt3A_195 = arith.constant 80 : i32
      %lt3A_196 = arith.cmpi slt, %add3A_194, %lt3A_195 : i32
      %convert_element_type3A_197 = arith.extui %lt3A_196 : i1 to i32
      %cond3A_198 = arith.constant 0 : i32
      %cond3A_199 = arith.cmpi ne, %convert_element_type3A_197, %cond3A_198 : i32
      scf.if %cond3A_199 {
        %add3A_208 = arith.constant 4 : i32
        %add3A_209 = arith.addi %add3A_153, %add3A_208 : i32
        %dma_start3A_210 = arith.constant 0 : i32
        %dma_start3A_211 = tpu.memref_slice %arg10[%select_n3A_169, %dma_start3A_210] : memref<4x128xi32, #tpu.memory_space<vmem>> -> memref<1x128xi32, #tpu.memory_space<vmem>>
        %dma_start3A_212 = tpu.memref_squeeze %dma_start3A_211 : memref<1x128xi32, #tpu.memory_space<vmem>> -> memref<128xi32, #tpu.memory_space<vmem>>
        %dma_start3A_213 = arith.constant 0 : i32
        %dma_start3A_214 = tpu.memref_slice %arg4[%add3A, %add3A_209, %dma_start3A_213] : memref<32x80x128xi32, #tpu.memory_space<hbm>> -> memref<1x1x128xi32, #tpu.memory_space<hbm>>
        %dma_start3A_215 = tpu.memref_squeeze %dma_start3A_214 : memref<1x1x128xi32, #tpu.memory_space<hbm>> -> memref<128xi32, #tpu.memory_space<hbm>>
        %dma_start3A_216 = tpu.memref_slice %arg12[%select_n3A_169] : memref<4x!tpu.dma_semaphore, #tpu.memory_space<semaphore_mem>> -> memref<1x!tpu.dma_semaphore, #tpu.memory_space<semaphore_mem>>
        %dma_start3A_217 = tpu.memref_squeeze %dma_start3A_216 : memref<1x!tpu.dma_semaphore, #tpu.memory_space<semaphore_mem>> -> memref<!tpu.dma_semaphore, #tpu.memory_space<semaphore_mem>>
        %dma_start3A_218 = arith.constant 0 : i32
        %dma_start3A_219 = tpu.memref_slice %arg10[%select_n3A_169, %dma_start3A_218] : memref<4x128xi32, #tpu.memory_space<vmem>> -> memref<1x128xi32, #tpu.memory_space<vmem>>
        %dma_start3A_220 = tpu.memref_squeeze %dma_start3A_219 : memref<1x128xi32, #tpu.memory_space<vmem>> -> memref<128xi32, #tpu.memory_space<vmem>>
        %dma_start3A_221 = arith.constant 0 : i32
        %dma_start3A_222 = tpu.memref_slice %arg4[%add3A, %add3A_209, %dma_start3A_221] : memref<32x80x128xi32, #tpu.memory_space<hbm>> -> memref<1x1x128xi32, #tpu.memory_space<hbm>>
        %dma_start3A_223 = tpu.memref_squeeze %dma_start3A_222 : memref<1x1x128xi32, #tpu.memory_space<hbm>> -> memref<128xi32, #tpu.memory_space<hbm>>
        tpu.enqueue_dma source(%dma_start3A_223 : memref<128xi32, #tpu.memory_space<hbm>>) target(%dma_start3A_220 : memref<128xi32, #tpu.memory_space<vmem>>) target_semaphore(%dma_start3A_217 : memref<!tpu.dma_semaphore, #tpu.memory_space<semaphore_mem>>)
      } else {
      }
      %add3A_200 = arith.constant 2 : i32
      %add3A_201 = arith.addi %add3A_153, %add3A_200 : i32
      %lt3A_202 = arith.constant 80 : i32
      %lt3A_203 = arith.cmpi slt, %add3A_201, %lt3A_202 : i32
      %convert_element_type3A_204 = arith.extui %lt3A_203 : i1 to i32
      %cond3A_205 = arith.constant 0 : i32
      %cond3A_206 = arith.cmpi ne, %convert_element_type3A_204, %cond3A_205 : i32
      scf.if %cond3A_206 {
        %add3A_208 = arith.constant 2 : i32
        %add3A_209 = arith.addi %add3A_153, %add3A_208 : i32
        %dma_start3A_210 = arith.constant 1 : i32
        %dma_start3A_211 = arith.constant 0 : i32
        %dma_start3A_212 = tpu.memref_slice %arg7[%add3A_209, %dma_start3A_211] : memref<80x128xi32, #tpu.memory_space<vmem>> -> memref<1x128xi32, #tpu.memory_space<vmem>>
        %dma_start3A_213 = tpu.memref_squeeze %dma_start3A_212 : memref<1x128xi32, #tpu.memory_space<vmem>> -> memref<128xi32, #tpu.memory_space<vmem>>
        %dma_start3A_214 = arith.constant 0 : i32
        %dma_start3A_215 = arith.constant 0 : i32
        %dma_start3A_216 = tpu.memref_slice %arg2[%dma_start3A_214, %dma_start3A_215] : memref<10000x128xf32, #tpu.memory_space<hbm>> -> memref<10000x128xf32, #tpu.memory_space<hbm>>
        %dma_start3A_217 = tpu.memref_slice %arg11[%dma_start3A_210] : memref<2x!tpu.dma_semaphore, #tpu.memory_space<semaphore_mem>> -> memref<1x!tpu.dma_semaphore, #tpu.memory_space<semaphore_mem>>
        %dma_start3A_218 = tpu.memref_squeeze %dma_start3A_217 : memref<1x!tpu.dma_semaphore, #tpu.memory_space<semaphore_mem>> -> memref<!tpu.dma_semaphore, #tpu.memory_space<semaphore_mem>>
        tpu.enqueue_indirect_dma source(%dma_start3A_216 : memref<10000x128xf32, #tpu.memory_space<hbm>>) target(%arg9 : memref<128x128xf32, #tpu.memory_space<vmem>>) offsets(%dma_start3A_213 : memref<128xi32, #tpu.memory_space<vmem>>) semaphore(%dma_start3A_218 : memref<!tpu.dma_semaphore, #tpu.memory_space<semaphore_mem>>)
      } else {
      }
      %scan3A_207 = arith.constant 0 : i32
      scf.yield %scan3A_207 : i32
    }
    %scan3A_97 = arith.constant 40 : i32
    %barrier3A_98 = arith.constant 0 : index
    tpu.barrier barrier_id(%barrier3A_98)
    %mul3A_99 = arith.constant 640 : i32
    %mul3A_100 = arith.muli %arg1, %mul3A_99 : i32
    %mul3A_101 = arith.constant 640 : i32
    %mul3A_102 = arith.muli %arg1, %mul3A_101 : i32
    "tpu.region"() ({
      %run_scoped3A = tpu.sem_alloc : memref<!tpu.dma_semaphore, #tpu.memory_space<semaphore_mem>>
      %dma_start3A_103 = arith.constant 0 : i32
      %dma_start3A_104 = tpu.memref_slice %arg6[%arg0, %mul3A_102, %dma_start3A_103] : memref<2x10240x128xf32, #tpu.memory_space<hbm>> -> memref<1x640x128xf32, #tpu.memory_space<hbm>>
      %dma_start3A_105 = tpu.memref_squeeze %dma_start3A_104 : memref<1x640x128xf32, #tpu.memory_space<hbm>> -> memref<640x128xf32, #tpu.memory_space<hbm>>
      %dma_start3A_106 = arith.constant 0 : i32
      %dma_start3A_107 = tpu.memref_slice %arg13[%mul3A_100, %dma_start3A_106] : memref<10240x128xf32, #tpu.memory_space<vmem_shared>> -> memref<640x128xf32, #tpu.memory_space<vmem_shared>>
      tpu.enqueue_dma source(%dma_start3A_107 : memref<640x128xf32, #tpu.memory_space<vmem_shared>>) target(%dma_start3A_105 : memref<640x128xf32, #tpu.memory_space<hbm>>) target_semaphore(%run_scoped3A : memref<!tpu.dma_semaphore, #tpu.memory_space<semaphore_mem>>)
      %dma_wait3A = arith.constant 0 : i32
      %dma_wait3A_108 = tpu.memref_slice %arg6[%arg0, %mul3A_102, %dma_wait3A] : memref<2x10240x128xf32, #tpu.memory_space<hbm>> -> memref<1x640x128xf32, #tpu.memory_space<hbm>>
      %dma_wait3A_109 = tpu.memref_squeeze %dma_wait3A_108 : memref<1x640x128xf32, #tpu.memory_space<hbm>> -> memref<640x128xf32, #tpu.memory_space<hbm>>
      %dma_wait3A_110 = arith.constant 0 : i32
      %dma_wait3A_111 = tpu.memref_slice %arg13[%mul3A_100, %dma_wait3A_110] : memref<10240x128xf32, #tpu.memory_space<vmem_shared>> -> memref<640x128xf32, #tpu.memory_space<vmem_shared>>
      tpu.wait_dma2 semaphore(%run_scoped3A : memref<!tpu.dma_semaphore, #tpu.memory_space<semaphore_mem>>) src(%dma_wait3A_111 : memref<640x128xf32, #tpu.memory_space<vmem_shared>>) dst(%dma_wait3A_109 : memref<640x128xf32, #tpu.memory_space<hbm>>)
      tpu.yield
    }) : () -> ()
    return
  }
}

#map = affine_map<(d0, d1) -> (0, 0)>
#map1 = affine_map<(d0, d1) -> (0, 0, 0)>
module attributes {stable_mosaic.version = 14 : i64} {
  func.func @_sc_conv_body(%arg0: i32, %arg1: i32, %arg2: memref<10000x128xf32, #tpu.memory_space<hbm>>, %arg3: memref<32x80x128xi32, #tpu.memory_space<hbm>>, %arg4: memref<32x80x128xi32, #tpu.memory_space<hbm>>, %arg5: memref<10240x128xf32, #tpu.memory_space<hbm>>, %arg6: memref<2x10240x128xf32, #tpu.memory_space<hbm>>, %arg7: memref<80x128xi32, #tpu.memory_space<vmem>>, %arg8: memref<128x128xf32, #tpu.memory_space<vmem>>, %arg9: memref<128x128xf32, #tpu.memory_space<vmem>>, %arg10: memref<4x128xi32, #tpu.memory_space<vmem>>, %arg11: memref<2x!tpu.dma_semaphore, #tpu.memory_space<semaphore_mem>>, %arg12: memref<4x!tpu.dma_semaphore, #tpu.memory_space<semaphore_mem>>, %arg13: memref<10240x128xf32, #tpu.memory_space<vmem_shared>>) attributes {dimension_semantics = [#tpu.dimension_semantics<core_parallel>, #tpu.dimension_semantics<subcore_parallel>], iteration_bounds = array<i64: 2, 16>, scalar_prefetch = 0 : i64, scratch_operands = 7 : i64, tpu.core_type = #tpu.core_type<sc_vector_subcore>, window_params = [{transform_indices = #map}, {transform_indices = #map1}, {transform_indices = #map1}, {transform_indices = #map}, {transform_indices = #map1}]} {
    %mul3A = arith.constant 2 : i32
    %mul3A_0 = arith.muli %arg1, %mul3A : i32
    %add3A = arith.addi %mul3A_0, %arg0 : i32
    "tpu.region"() ({
      %run_scoped3A = tpu.sem_alloc : memref<!tpu.dma_semaphore, #tpu.memory_space<semaphore_mem>>
      %dma_start3A_103 = arith.constant 0 : i32
      %dma_start3A_104 = arith.constant 0 : i32
      %dma_start3A_105 = tpu.memref_slice %arg3[%add3A, %dma_start3A_103, %dma_start3A_104] : memref<32x80x128xi32, #tpu.memory_space<hbm>> -> memref<1x80x128xi32, #tpu.memory_space<hbm>>
      %dma_start3A_106 = tpu.memref_squeeze %dma_start3A_105 : memref<1x80x128xi32, #tpu.memory_space<hbm>> -> memref<80x128xi32, #tpu.memory_space<hbm>>
      %dma_start3A_107 = arith.constant 0 : i32
      %dma_start3A_108 = arith.constant 0 : i32
      %dma_start3A_109 = tpu.memref_slice %arg3[%add3A, %dma_start3A_107, %dma_start3A_108] : memref<32x80x128xi32, #tpu.memory_space<hbm>> -> memref<1x80x128xi32, #tpu.memory_space<hbm>>
      %dma_start3A_110 = tpu.memref_squeeze %dma_start3A_109 : memref<1x80x128xi32, #tpu.memory_space<hbm>> -> memref<80x128xi32, #tpu.memory_space<hbm>>
      tpu.enqueue_dma source(%dma_start3A_110 : memref<80x128xi32, #tpu.memory_space<hbm>>) target(%arg7 : memref<80x128xi32, #tpu.memory_space<vmem>>) target_semaphore(%run_scoped3A : memref<!tpu.dma_semaphore, #tpu.memory_space<semaphore_mem>>)
      %dma_wait3A = arith.constant 0 : i32
      %dma_wait3A_111 = arith.constant 0 : i32
      %dma_wait3A_112 = tpu.memref_slice %arg3[%add3A, %dma_wait3A, %dma_wait3A_111] : memref<32x80x128xi32, #tpu.memory_space<hbm>> -> memref<1x80x128xi32, #tpu.memory_space<hbm>>
      %dma_wait3A_113 = tpu.memref_squeeze %dma_wait3A_112 : memref<1x80x128xi32, #tpu.memory_space<hbm>> -> memref<80x128xi32, #tpu.memory_space<hbm>>
      %dma_wait3A_114 = arith.constant 0 : i32
      %dma_wait3A_115 = arith.constant 0 : i32
      %dma_wait3A_116 = tpu.memref_slice %arg3[%add3A, %dma_wait3A_114, %dma_wait3A_115] : memref<32x80x128xi32, #tpu.memory_space<hbm>> -> memref<1x80x128xi32, #tpu.memory_space<hbm>>
      %dma_wait3A_117 = tpu.memref_squeeze %dma_wait3A_116 : memref<1x80x128xi32, #tpu.memory_space<hbm>> -> memref<80x128xi32, #tpu.memory_space<hbm>>
      tpu.wait_dma2 semaphore(%run_scoped3A : memref<!tpu.dma_semaphore, #tpu.memory_space<semaphore_mem>>) src(%dma_wait3A_117 : memref<80x128xi32, #tpu.memory_space<hbm>>) dst(%arg7 : memref<80x128xi32, #tpu.memory_space<vmem>>)
      tpu.yield
    }) : () -> ()
    %mul3A_1 = arith.constant 640 : i32
    %mul3A_2 = arith.muli %arg1, %mul3A_1 : i32
    %mul3A_3 = arith.constant 640 : i32
    %mul3A_4 = arith.muli %arg1, %mul3A_3 : i32
    "tpu.region"() ({
      %run_scoped3A = tpu.sem_alloc : memref<!tpu.dma_semaphore, #tpu.memory_space<semaphore_mem>>
      %dma_start3A_103 = arith.constant 0 : i32
      %dma_start3A_104 = tpu.memref_slice %arg13[%mul3A_4, %dma_start3A_103] : memref<10240x128xf32, #tpu.memory_space<vmem_shared>> -> memref<640x128xf32, #tpu.memory_space<vmem_shared>>
      %dma_start3A_105 = arith.constant 0 : i32
      %dma_start3A_106 = tpu.memref_slice %arg5[%mul3A_2, %dma_start3A_105] : memref<10240x128xf32, #tpu.memory_space<hbm>> -> memref<640x128xf32, #tpu.memory_space<hbm>>
      tpu.enqueue_dma source(%dma_start3A_106 : memref<640x128xf32, #tpu.memory_space<hbm>>) target(%dma_start3A_104 : memref<640x128xf32, #tpu.memory_space<vmem_shared>>) target_semaphore(%run_scoped3A : memref<!tpu.dma_semaphore, #tpu.memory_space<semaphore_mem>>)
      %dma_wait3A = arith.constant 0 : i32
      %dma_wait3A_107 = tpu.memref_slice %arg13[%mul3A_4, %dma_wait3A] : memref<10240x128xf32, #tpu.memory_space<vmem_shared>> -> memref<640x128xf32, #tpu.memory_space<vmem_shared>>
      %dma_wait3A_108 = arith.constant 0 : i32
      %dma_wait3A_109 = tpu.memref_slice %arg5[%mul3A_2, %dma_wait3A_108] : memref<10240x128xf32, #tpu.memory_space<hbm>> -> memref<640x128xf32, #tpu.memory_space<hbm>>
      tpu.wait_dma2 semaphore(%run_scoped3A : memref<!tpu.dma_semaphore, #tpu.memory_space<semaphore_mem>>) src(%dma_wait3A_109 : memref<640x128xf32, #tpu.memory_space<hbm>>) dst(%dma_wait3A_107 : memref<640x128xf32, #tpu.memory_space<vmem_shared>>)
      tpu.yield
    }) : () -> ()
    %dma_start3A = arith.constant 0 : i32
    %dma_start3A_5 = arith.constant 0 : i32
    %dma_start3A_6 = arith.constant 0 : i32
    %dma_start3A_7 = arith.constant 0 : i32
    %dma_start3A_8 = tpu.memref_slice %arg10[%dma_start3A_5, %dma_start3A_7] : memref<4x128xi32, #tpu.memory_space<vmem>> -> memref<1x128xi32, #tpu.memory_space<vmem>>
    %dma_start3A_9 = tpu.memref_squeeze %dma_start3A_8 : memref<1x128xi32, #tpu.memory_space<vmem>> -> memref<128xi32, #tpu.memory_space<vmem>>
    %dma_start3A_10 = arith.constant 0 : i32
    %dma_start3A_11 = tpu.memref_slice %arg4[%add3A, %dma_start3A, %dma_start3A_10] : memref<32x80x128xi32, #tpu.memory_space<hbm>> -> memref<1x1x128xi32, #tpu.memory_space<hbm>>
    %dma_start3A_12 = tpu.memref_squeeze %dma_start3A_11 : memref<1x1x128xi32, #tpu.memory_space<hbm>> -> memref<128xi32, #tpu.memory_space<hbm>>
    %dma_start3A_13 = tpu.memref_slice %arg12[%dma_start3A_6] : memref<4x!tpu.dma_semaphore, #tpu.memory_space<semaphore_mem>> -> memref<1x!tpu.dma_semaphore, #tpu.memory_space<semaphore_mem>>
    %dma_start3A_14 = tpu.memref_squeeze %dma_start3A_13 : memref<1x!tpu.dma_semaphore, #tpu.memory_space<semaphore_mem>> -> memref<!tpu.dma_semaphore, #tpu.memory_space<semaphore_mem>>
    %dma_start3A_15 = arith.constant 0 : i32
    %dma_start3A_16 = tpu.memref_slice %arg10[%dma_start3A_5, %dma_start3A_15] : memref<4x128xi32, #tpu.memory_space<vmem>> -> memref<1x128xi32, #tpu.memory_space<vmem>>
    %dma_start3A_17 = tpu.memref_squeeze %dma_start3A_16 : memref<1x128xi32, #tpu.memory_space<vmem>> -> memref<128xi32, #tpu.memory_space<vmem>>
    %dma_start3A_18 = arith.constant 0 : i32
    %dma_start3A_19 = tpu.memref_slice %arg4[%add3A, %dma_start3A, %dma_start3A_18] : memref<32x80x128xi32, #tpu.memory_space<hbm>> -> memref<1x1x128xi32, #tpu.memory_space<hbm>>
    %dma_start3A_20 = tpu.memref_squeeze %dma_start3A_19 : memref<1x1x128xi32, #tpu.memory_space<hbm>> -> memref<128xi32, #tpu.memory_space<hbm>>
    tpu.enqueue_dma source(%dma_start3A_20 : memref<128xi32, #tpu.memory_space<hbm>>) target(%dma_start3A_17 : memref<128xi32, #tpu.memory_space<vmem>>) target_semaphore(%dma_start3A_14 : memref<!tpu.dma_semaphore, #tpu.memory_space<semaphore_mem>>)
    %dma_start3A_21 = arith.constant 1 : i32
    %dma_start3A_22 = arith.constant 1 : i32
    %dma_start3A_23 = arith.constant 1 : i32
    %dma_start3A_24 = arith.constant 0 : i32
    %dma_start3A_25 = tpu.memref_slice %arg10[%dma_start3A_22, %dma_start3A_24] : memref<4x128xi32, #tpu.memory_space<vmem>> -> memref<1x128xi32, #tpu.memory_space<vmem>>
    %dma_start3A_26 = tpu.memref_squeeze %dma_start3A_25 : memref<1x128xi32, #tpu.memory_space<vmem>> -> memref<128xi32, #tpu.memory_space<vmem>>
    %dma_start3A_27 = arith.constant 0 : i32
    %dma_start3A_28 = tpu.memref_slice %arg4[%add3A, %dma_start3A_21, %dma_start3A_27] : memref<32x80x128xi32, #tpu.memory_space<hbm>> -> memref<1x1x128xi32, #tpu.memory_space<hbm>>
    %dma_start3A_29 = tpu.memref_squeeze %dma_start3A_28 : memref<1x1x128xi32, #tpu.memory_space<hbm>> -> memref<128xi32, #tpu.memory_space<hbm>>
    %dma_start3A_30 = tpu.memref_slice %arg12[%dma_start3A_23] : memref<4x!tpu.dma_semaphore, #tpu.memory_space<semaphore_mem>> -> memref<1x!tpu.dma_semaphore, #tpu.memory_space<semaphore_mem>>
    %dma_start3A_31 = tpu.memref_squeeze %dma_start3A_30 : memref<1x!tpu.dma_semaphore, #tpu.memory_space<semaphore_mem>> -> memref<!tpu.dma_semaphore, #tpu.memory_space<semaphore_mem>>
    %dma_start3A_32 = arith.constant 0 : i32
    %dma_start3A_33 = tpu.memref_slice %arg10[%dma_start3A_22, %dma_start3A_32] : memref<4x128xi32, #tpu.memory_space<vmem>> -> memref<1x128xi32, #tpu.memory_space<vmem>>
    %dma_start3A_34 = tpu.memref_squeeze %dma_start3A_33 : memref<1x128xi32, #tpu.memory_space<vmem>> -> memref<128xi32, #tpu.memory_space<vmem>>
    %dma_start3A_35 = arith.constant 0 : i32
    %dma_start3A_36 = tpu.memref_slice %arg4[%add3A, %dma_start3A_21, %dma_start3A_35] : memref<32x80x128xi32, #tpu.memory_space<hbm>> -> memref<1x1x128xi32, #tpu.memory_space<hbm>>
    %dma_start3A_37 = tpu.memref_squeeze %dma_start3A_36 : memref<1x1x128xi32, #tpu.memory_space<hbm>> -> memref<128xi32, #tpu.memory_space<hbm>>
    tpu.enqueue_dma source(%dma_start3A_37 : memref<128xi32, #tpu.memory_space<hbm>>) target(%dma_start3A_34 : memref<128xi32, #tpu.memory_space<vmem>>) target_semaphore(%dma_start3A_31 : memref<!tpu.dma_semaphore, #tpu.memory_space<semaphore_mem>>)
    %dma_start3A_38 = arith.constant 2 : i32
    %dma_start3A_39 = arith.constant 2 : i32
    %dma_start3A_40 = arith.constant 2 : i32
    %dma_start3A_41 = arith.constant 0 : i32
    %dma_start3A_42 = tpu.memref_slice %arg10[%dma_start3A_39, %dma_start3A_41] : memref<4x128xi32, #tpu.memory_space<vmem>> -> memref<1x128xi32, #tpu.memory_space<vmem>>
    %dma_start3A_43 = tpu.memref_squeeze %dma_start3A_42 : memref<1x128xi32, #tpu.memory_space<vmem>> -> memref<128xi32, #tpu.memory_space<vmem>>
    %dma_start3A_44 = arith.constant 0 : i32
    %dma_start3A_45 = tpu.memref_slice %arg4[%add3A, %dma_start3A_38, %dma_start3A_44] : memref<32x80x128xi32, #tpu.memory_space<hbm>> -> memref<1x1x128xi32, #tpu.memory_space<hbm>>
    %dma_start3A_46 = tpu.memref_squeeze %dma_start3A_45 : memref<1x1x128xi32, #tpu.memory_space<hbm>> -> memref<128xi32, #tpu.memory_space<hbm>>
    %dma_start3A_47 = tpu.memref_slice %arg12[%dma_start3A_40] : memref<4x!tpu.dma_semaphore, #tpu.memory_space<semaphore_mem>> -> memref<1x!tpu.dma_semaphore, #tpu.memory_space<semaphore_mem>>
    %dma_start3A_48 = tpu.memref_squeeze %dma_start3A_47 : memref<1x!tpu.dma_semaphore, #tpu.memory_space<semaphore_mem>> -> memref<!tpu.dma_semaphore, #tpu.memory_space<semaphore_mem>>
    %dma_start3A_49 = arith.constant 0 : i32
    %dma_start3A_50 = tpu.memref_slice %arg10[%dma_start3A_39, %dma_start3A_49] : memref<4x128xi32, #tpu.memory_space<vmem>> -> memref<1x128xi32, #tpu.memory_space<vmem>>
    %dma_start3A_51 = tpu.memref_squeeze %dma_start3A_50 : memref<1x128xi32, #tpu.memory_space<vmem>> -> memref<128xi32, #tpu.memory_space<vmem>>
    %dma_start3A_52 = arith.constant 0 : i32
    %dma_start3A_53 = tpu.memref_slice %arg4[%add3A, %dma_start3A_38, %dma_start3A_52] : memref<32x80x128xi32, #tpu.memory_space<hbm>> -> memref<1x1x128xi32, #tpu.memory_space<hbm>>
    %dma_start3A_54 = tpu.memref_squeeze %dma_start3A_53 : memref<1x1x128xi32, #tpu.memory_space<hbm>> -> memref<128xi32, #tpu.memory_space<hbm>>
    tpu.enqueue_dma source(%dma_start3A_54 : memref<128xi32, #tpu.memory_space<hbm>>) target(%dma_start3A_51 : memref<128xi32, #tpu.memory_space<vmem>>) target_semaphore(%dma_start3A_48 : memref<!tpu.dma_semaphore, #tpu.memory_space<semaphore_mem>>)
    %dma_start3A_55 = arith.constant 3 : i32
    %dma_start3A_56 = arith.constant 3 : i32
    %dma_start3A_57 = arith.constant 3 : i32
    %dma_start3A_58 = arith.constant 0 : i32
    %dma_start3A_59 = tpu.memref_slice %arg10[%dma_start3A_56, %dma_start3A_58] : memref<4x128xi32, #tpu.memory_space<vmem>> -> memref<1x128xi32, #tpu.memory_space<vmem>>
    %dma_start3A_60 = tpu.memref_squeeze %dma_start3A_59 : memref<1x128xi32, #tpu.memory_space<vmem>> -> memref<128xi32, #tpu.memory_space<vmem>>
    %dma_start3A_61 = arith.constant 0 : i32
    %dma_start3A_62 = tpu.memref_slice %arg4[%add3A, %dma_start3A_55, %dma_start3A_61] : memref<32x80x128xi32, #tpu.memory_space<hbm>> -> memref<1x1x128xi32, #tpu.memory_space<hbm>>
    %dma_start3A_63 = tpu.memref_squeeze %dma_start3A_62 : memref<1x1x128xi32, #tpu.memory_space<hbm>> -> memref<128xi32, #tpu.memory_space<hbm>>
    %dma_start3A_64 = tpu.memref_slice %arg12[%dma_start3A_57] : memref<4x!tpu.dma_semaphore, #tpu.memory_space<semaphore_mem>> -> memref<1x!tpu.dma_semaphore, #tpu.memory_space<semaphore_mem>>
    %dma_start3A_65 = tpu.memref_squeeze %dma_start3A_64 : memref<1x!tpu.dma_semaphore, #tpu.memory_space<semaphore_mem>> -> memref<!tpu.dma_semaphore, #tpu.memory_space<semaphore_mem>>
    %dma_start3A_66 = arith.constant 0 : i32
    %dma_start3A_67 = tpu.memref_slice %arg10[%dma_start3A_56, %dma_start3A_66] : memref<4x128xi32, #tpu.memory_space<vmem>> -> memref<1x128xi32, #tpu.memory_space<vmem>>
    %dma_start3A_68 = tpu.memref_squeeze %dma_start3A_67 : memref<1x128xi32, #tpu.memory_space<vmem>> -> memref<128xi32, #tpu.memory_space<vmem>>
    %dma_start3A_69 = arith.constant 0 : i32
    %dma_start3A_70 = tpu.memref_slice %arg4[%add3A, %dma_start3A_55, %dma_start3A_69] : memref<32x80x128xi32, #tpu.memory_space<hbm>> -> memref<1x1x128xi32, #tpu.memory_space<hbm>>
    %dma_start3A_71 = tpu.memref_squeeze %dma_start3A_70 : memref<1x1x128xi32, #tpu.memory_space<hbm>> -> memref<128xi32, #tpu.memory_space<hbm>>
    tpu.enqueue_dma source(%dma_start3A_71 : memref<128xi32, #tpu.memory_space<hbm>>) target(%dma_start3A_68 : memref<128xi32, #tpu.memory_space<vmem>>) target_semaphore(%dma_start3A_65 : memref<!tpu.dma_semaphore, #tpu.memory_space<semaphore_mem>>)
    %dma_start3A_72 = arith.constant 0 : i32
    %dma_start3A_73 = arith.constant 0 : i32
    %dma_start3A_74 = arith.constant 0 : i32
    %dma_start3A_75 = tpu.memref_slice %arg7[%dma_start3A_72, %dma_start3A_74] : memref<80x128xi32, #tpu.memory_space<vmem>> -> memref<1x128xi32, #tpu.memory_space<vmem>>
    %dma_start3A_76 = tpu.memref_squeeze %dma_start3A_75 : memref<1x128xi32, #tpu.memory_space<vmem>> -> memref<128xi32, #tpu.memory_space<vmem>>
    %dma_start3A_77 = arith.constant 0 : i32
    %dma_start3A_78 = arith.constant 0 : i32
    %dma_start3A_79 = tpu.memref_slice %arg2[%dma_start3A_77, %dma_start3A_78] : memref<10000x128xf32, #tpu.memory_space<hbm>> -> memref<10000x128xf32, #tpu.memory_space<hbm>>
    %dma_start3A_80 = tpu.memref_slice %arg11[%dma_start3A_73] : memref<2x!tpu.dma_semaphore, #tpu.memory_space<semaphore_mem>> -> memref<1x!tpu.dma_semaphore, #tpu.memory_space<semaphore_mem>>
    %dma_start3A_81 = tpu.memref_squeeze %dma_start3A_80 : memref<1x!tpu.dma_semaphore, #tpu.memory_space<semaphore_mem>> -> memref<!tpu.dma_semaphore, #tpu.memory_space<semaphore_mem>>
    tpu.enqueue_indirect_dma source(%dma_start3A_79 : memref<10000x128xf32, #tpu.memory_space<hbm>>) target(%arg8 : memref<128x128xf32, #tpu.memory_space<vmem>>) offsets(%dma_start3A_76 : memref<128xi32, #tpu.memory_space<vmem>>) semaphore(%dma_start3A_81 : memref<!tpu.dma_semaphore, #tpu.memory_space<semaphore_mem>>)
    %dma_start3A_82 = arith.constant 1 : i32
    %dma_start3A_83 = arith.constant 1 : i32
    %dma_start3A_84 = arith.constant 0 : i32
    %dma_start3A_85 = tpu.memref_slice %arg7[%dma_start3A_82, %dma_start3A_84] : memref<80x128xi32, #tpu.memory_space<vmem>> -> memref<1x128xi32, #tpu.memory_space<vmem>>
    %dma_start3A_86 = tpu.memref_squeeze %dma_start3A_85 : memref<1x128xi32, #tpu.memory_space<vmem>> -> memref<128xi32, #tpu.memory_space<vmem>>
    %dma_start3A_87 = arith.constant 0 : i32
    %dma_start3A_88 = arith.constant 0 : i32
    %dma_start3A_89 = tpu.memref_slice %arg2[%dma_start3A_87, %dma_start3A_88] : memref<10000x128xf32, #tpu.memory_space<hbm>> -> memref<10000x128xf32, #tpu.memory_space<hbm>>
    %dma_start3A_90 = tpu.memref_slice %arg11[%dma_start3A_83] : memref<2x!tpu.dma_semaphore, #tpu.memory_space<semaphore_mem>> -> memref<1x!tpu.dma_semaphore, #tpu.memory_space<semaphore_mem>>
    %dma_start3A_91 = tpu.memref_squeeze %dma_start3A_90 : memref<1x!tpu.dma_semaphore, #tpu.memory_space<semaphore_mem>> -> memref<!tpu.dma_semaphore, #tpu.memory_space<semaphore_mem>>
    tpu.enqueue_indirect_dma source(%dma_start3A_89 : memref<10000x128xf32, #tpu.memory_space<hbm>>) target(%arg9 : memref<128x128xf32, #tpu.memory_space<vmem>>) offsets(%dma_start3A_86 : memref<128xi32, #tpu.memory_space<vmem>>) semaphore(%dma_start3A_91 : memref<!tpu.dma_semaphore, #tpu.memory_space<semaphore_mem>>)
    %barrier3A = arith.constant 0 : index
    tpu.barrier barrier_id(%barrier3A)
    %scan3A = arith.constant 0 : i32
    %scan3A_92 = arith.constant 0 : i32
    %scan3A_93 = arith.constant 40 : i32
    %scan3A_94 = arith.addi %scan3A_92, %scan3A_93 : i32
    %scan3A_95 = arith.constant 1 : i32
    %scan3A_96 = scf.for %scan3A_103 = %scan3A_92 to %scan3A_94 step %scan3A_95 iter_args(%scan3A_104 = %scan3A) -> (i32)  : i32 {
      %mul3A_105 = arith.constant 2 : i32
      %mul3A_106 = arith.muli %scan3A_103, %mul3A_105 : i32
      %add3A_107 = arith.constant 0 : i32
      %add3A_108 = arith.addi %mul3A_106, %add3A_107 : i32
      %jit3A = arith.constant 4 : i32
      %eq3A = arith.constant 0 : i32
      %eq3A_109 = arith.cmpi eq, %jit3A, %eq3A : i32
      %jit3A_110 = arith.constant 1 : i32
      %select_n3A = arith.select %eq3A_109, %jit3A_110, %jit3A : i32
      %rem3A = arith.remsi %add3A_108, %select_n3A : i32
      %ne3A = arith.constant 0 : i32
      %ne3A_111 = arith.cmpi ne, %rem3A, %ne3A : i32
      %lt3A = arith.constant 0 : i32
      %lt3A_112 = arith.cmpi slt, %rem3A, %lt3A : i32
      %lt3A_113 = arith.constant 0 : i32
      %lt3A_114 = arith.cmpi slt, %select_n3A, %lt3A_113 : i32
      %ne3A_115 = arith.xori %lt3A_112, %lt3A_114 : i1
      %and3A = arith.andi %ne3A_115, %ne3A_111 : i1
      %add3A_116 = arith.addi %rem3A, %select_n3A : i32
      %select_n3A_117 = arith.select %and3A, %add3A_116, %rem3A : i32
      %dma_wait3A = arith.constant 0 : i32
      %dma_wait3A_118 = arith.constant 0 : i32
      %dma_wait3A_119 = tpu.memref_slice %arg7[%add3A_108, %dma_wait3A_118] : memref<80x128xi32, #tpu.memory_space<vmem>> -> memref<1x128xi32, #tpu.memory_space<vmem>>
      %dma_wait3A_120 = tpu.memref_squeeze %dma_wait3A_119 : memref<1x128xi32, #tpu.memory_space<vmem>> -> memref<128xi32, #tpu.memory_space<vmem>>
      %dma_wait3A_121 = arith.constant 0 : i32
      %dma_wait3A_122 = arith.constant 0 : i32
      %dma_wait3A_123 = tpu.memref_slice %arg2[%dma_wait3A_121, %dma_wait3A_122] : memref<10000x128xf32, #tpu.memory_space<hbm>> -> memref<10000x128xf32, #tpu.memory_space<hbm>>
      %dma_wait3A_124 = tpu.memref_slice %arg11[%dma_wait3A] : memref<2x!tpu.dma_semaphore, #tpu.memory_space<semaphore_mem>> -> memref<1x!tpu.dma_semaphore, #tpu.memory_space<semaphore_mem>>
      %dma_wait3A_125 = tpu.memref_squeeze %dma_wait3A_124 : memref<1x!tpu.dma_semaphore, #tpu.memory_space<semaphore_mem>> -> memref<!tpu.dma_semaphore, #tpu.memory_space<semaphore_mem>>
      tpu.wait_indirect_dma semaphore(%dma_wait3A_125 : memref<!tpu.dma_semaphore, #tpu.memory_space<semaphore_mem>>) src(%dma_wait3A_123 : memref<10000x128xf32, #tpu.memory_space<hbm>>) dst(%arg8 : memref<128x128xf32, #tpu.memory_space<vmem>>)
      %dma_wait3A_126 = arith.constant 0 : i32
      %dma_wait3A_127 = tpu.memref_slice %arg10[%select_n3A_117, %dma_wait3A_126] : memref<4x128xi32, #tpu.memory_space<vmem>> -> memref<1x128xi32, #tpu.memory_space<vmem>>
      %dma_wait3A_128 = tpu.memref_squeeze %dma_wait3A_127 : memref<1x128xi32, #tpu.memory_space<vmem>> -> memref<128xi32, #tpu.memory_space<vmem>>
      %dma_wait3A_129 = arith.constant 0 : i32
      %dma_wait3A_130 = tpu.memref_slice %arg4[%add3A, %add3A_108, %dma_wait3A_129] : memref<32x80x128xi32, #tpu.memory_space<hbm>> -> memref<1x1x128xi32, #tpu.memory_space<hbm>>
      %dma_wait3A_131 = tpu.memref_squeeze %dma_wait3A_130 : memref<1x1x128xi32, #tpu.memory_space<hbm>> -> memref<128xi32, #tpu.memory_space<hbm>>
      %dma_wait3A_132 = tpu.memref_slice %arg12[%select_n3A_117] : memref<4x!tpu.dma_semaphore, #tpu.memory_space<semaphore_mem>> -> memref<1x!tpu.dma_semaphore, #tpu.memory_space<semaphore_mem>>
      %dma_wait3A_133 = tpu.memref_squeeze %dma_wait3A_132 : memref<1x!tpu.dma_semaphore, #tpu.memory_space<semaphore_mem>> -> memref<!tpu.dma_semaphore, #tpu.memory_space<semaphore_mem>>
      %dma_wait3A_134 = arith.constant 0 : i32
      %dma_wait3A_135 = tpu.memref_slice %arg10[%select_n3A_117, %dma_wait3A_134] : memref<4x128xi32, #tpu.memory_space<vmem>> -> memref<1x128xi32, #tpu.memory_space<vmem>>
      %dma_wait3A_136 = tpu.memref_squeeze %dma_wait3A_135 : memref<1x128xi32, #tpu.memory_space<vmem>> -> memref<128xi32, #tpu.memory_space<vmem>>
      %dma_wait3A_137 = arith.constant 0 : i32
      %dma_wait3A_138 = tpu.memref_slice %arg4[%add3A, %add3A_108, %dma_wait3A_137] : memref<32x80x128xi32, #tpu.memory_space<hbm>> -> memref<1x1x128xi32, #tpu.memory_space<hbm>>
      %dma_wait3A_139 = tpu.memref_squeeze %dma_wait3A_138 : memref<1x1x128xi32, #tpu.memory_space<hbm>> -> memref<128xi32, #tpu.memory_space<hbm>>
      tpu.wait_dma2 semaphore(%dma_wait3A_133 : memref<!tpu.dma_semaphore, #tpu.memory_space<semaphore_mem>>) src(%dma_wait3A_139 : memref<128xi32, #tpu.memory_space<hbm>>) dst(%dma_wait3A_136 : memref<128xi32, #tpu.memory_space<vmem>>)
      "tpu.region"() ({
        %run_scoped3A = tpu.sem_alloc : memref<!tpu.dma_semaphore, #tpu.memory_space<semaphore_mem>>
        %dma_start3A_208 = arith.constant 0 : i32
        %dma_start3A_209 = tpu.memref_slice %arg10[%select_n3A_117, %dma_start3A_208] : memref<4x128xi32, #tpu.memory_space<vmem>> -> memref<1x128xi32, #tpu.memory_space<vmem>>
        %dma_start3A_210 = tpu.memref_squeeze %dma_start3A_209 : memref<1x128xi32, #tpu.memory_space<vmem>> -> memref<128xi32, #tpu.memory_space<vmem>>
        %dma_start3A_211 = arith.constant 0 : i32
        %dma_start3A_212 = arith.constant 0 : i32
        %dma_start3A_213 = tpu.memref_slice %arg13[%dma_start3A_211, %dma_start3A_212] : memref<10240x128xf32, #tpu.memory_space<vmem_shared>> -> memref<10240x128xf32, #tpu.memory_space<vmem_shared>>
        tpu.enqueue_indirect_dma source(%arg8 : memref<128x128xf32, #tpu.memory_space<vmem>>) target(%dma_start3A_213 : memref<10240x128xf32, #tpu.memory_space<vmem_shared>>) offsets(%dma_start3A_210 : memref<128xi32, #tpu.memory_space<vmem>>) semaphore(%run_scoped3A : memref<!tpu.dma_semaphore, #tpu.memory_space<semaphore_mem>>) {add = true}
        %dma_wait3A_214 = arith.constant 0 : i32
        %dma_wait3A_215 = tpu.memref_slice %arg10[%select_n3A_117, %dma_wait3A_214] : memref<4x128xi32, #tpu.memory_space<vmem>> -> memref<1x128xi32, #tpu.memory_space<vmem>>
        %dma_wait3A_216 = tpu.memref_squeeze %dma_wait3A_215 : memref<1x128xi32, #tpu.memory_space<vmem>> -> memref<128xi32, #tpu.memory_space<vmem>>
        %dma_wait3A_217 = arith.constant 0 : i32
        %dma_wait3A_218 = arith.constant 0 : i32
        %dma_wait3A_219 = tpu.memref_slice %arg13[%dma_wait3A_217, %dma_wait3A_218] : memref<10240x128xf32, #tpu.memory_space<vmem_shared>> -> memref<10240x128xf32, #tpu.memory_space<vmem_shared>>
        tpu.wait_indirect_dma semaphore(%run_scoped3A : memref<!tpu.dma_semaphore, #tpu.memory_space<semaphore_mem>>) src(%arg8 : memref<128x128xf32, #tpu.memory_space<vmem>>) dst(%dma_wait3A_219 : memref<10240x128xf32, #tpu.memory_space<vmem_shared>>)
        tpu.yield
      }) : () -> ()
      %add3A_140 = arith.constant 4 : i32
      %add3A_141 = arith.addi %add3A_108, %add3A_140 : i32
      %lt3A_142 = arith.constant 80 : i32
      %lt3A_143 = arith.cmpi slt, %add3A_141, %lt3A_142 : i32
      %convert_element_type3A = arith.extui %lt3A_143 : i1 to i32
      %cond3A = arith.constant 0 : i32
      %cond3A_144 = arith.cmpi ne, %convert_element_type3A, %cond3A : i32
      scf.if %cond3A_144 {
        %add3A_208 = arith.constant 4 : i32
        %add3A_209 = arith.addi %add3A_108, %add3A_208 : i32
        %dma_start3A_210 = arith.constant 0 : i32
        %dma_start3A_211 = tpu.memref_slice %arg10[%select_n3A_117, %dma_start3A_210] : memref<4x128xi32, #tpu.memory_space<vmem>> -> memref<1x128xi32, #tpu.memory_space<vmem>>
        %dma_start3A_212 = tpu.memref_squeeze %dma_start3A_211 : memref<1x128xi32, #tpu.memory_space<vmem>> -> memref<128xi32, #tpu.memory_space<vmem>>
        %dma_start3A_213 = arith.constant 0 : i32
        %dma_start3A_214 = tpu.memref_slice %arg4[%add3A, %add3A_209, %dma_start3A_213] : memref<32x80x128xi32, #tpu.memory_space<hbm>> -> memref<1x1x128xi32, #tpu.memory_space<hbm>>
        %dma_start3A_215 = tpu.memref_squeeze %dma_start3A_214 : memref<1x1x128xi32, #tpu.memory_space<hbm>> -> memref<128xi32, #tpu.memory_space<hbm>>
        %dma_start3A_216 = tpu.memref_slice %arg12[%select_n3A_117] : memref<4x!tpu.dma_semaphore, #tpu.memory_space<semaphore_mem>> -> memref<1x!tpu.dma_semaphore, #tpu.memory_space<semaphore_mem>>
        %dma_start3A_217 = tpu.memref_squeeze %dma_start3A_216 : memref<1x!tpu.dma_semaphore, #tpu.memory_space<semaphore_mem>> -> memref<!tpu.dma_semaphore, #tpu.memory_space<semaphore_mem>>
        %dma_start3A_218 = arith.constant 0 : i32
        %dma_start3A_219 = tpu.memref_slice %arg10[%select_n3A_117, %dma_start3A_218] : memref<4x128xi32, #tpu.memory_space<vmem>> -> memref<1x128xi32, #tpu.memory_space<vmem>>
        %dma_start3A_220 = tpu.memref_squeeze %dma_start3A_219 : memref<1x128xi32, #tpu.memory_space<vmem>> -> memref<128xi32, #tpu.memory_space<vmem>>
        %dma_start3A_221 = arith.constant 0 : i32
        %dma_start3A_222 = tpu.memref_slice %arg4[%add3A, %add3A_209, %dma_start3A_221] : memref<32x80x128xi32, #tpu.memory_space<hbm>> -> memref<1x1x128xi32, #tpu.memory_space<hbm>>
        %dma_start3A_223 = tpu.memref_squeeze %dma_start3A_222 : memref<1x1x128xi32, #tpu.memory_space<hbm>> -> memref<128xi32, #tpu.memory_space<hbm>>
        tpu.enqueue_dma source(%dma_start3A_223 : memref<128xi32, #tpu.memory_space<hbm>>) target(%dma_start3A_220 : memref<128xi32, #tpu.memory_space<vmem>>) target_semaphore(%dma_start3A_217 : memref<!tpu.dma_semaphore, #tpu.memory_space<semaphore_mem>>)
      } else {
      }
      %add3A_145 = arith.constant 2 : i32
      %add3A_146 = arith.addi %add3A_108, %add3A_145 : i32
      %lt3A_147 = arith.constant 80 : i32
      %lt3A_148 = arith.cmpi slt, %add3A_146, %lt3A_147 : i32
      %convert_element_type3A_149 = arith.extui %lt3A_148 : i1 to i32
      %cond3A_150 = arith.constant 0 : i32
      %cond3A_151 = arith.cmpi ne, %convert_element_type3A_149, %cond3A_150 : i32
      scf.if %cond3A_151 {
        %add3A_208 = arith.constant 2 : i32
        %add3A_209 = arith.addi %add3A_108, %add3A_208 : i32
        %dma_start3A_210 = arith.constant 0 : i32
        %dma_start3A_211 = arith.constant 0 : i32
        %dma_start3A_212 = tpu.memref_slice %arg7[%add3A_209, %dma_start3A_211] : memref<80x128xi32, #tpu.memory_space<vmem>> -> memref<1x128xi32, #tpu.memory_space<vmem>>
        %dma_start3A_213 = tpu.memref_squeeze %dma_start3A_212 : memref<1x128xi32, #tpu.memory_space<vmem>> -> memref<128xi32, #tpu.memory_space<vmem>>
        %dma_start3A_214 = arith.constant 0 : i32
        %dma_start3A_215 = arith.constant 0 : i32
        %dma_start3A_216 = tpu.memref_slice %arg2[%dma_start3A_214, %dma_start3A_215] : memref<10000x128xf32, #tpu.memory_space<hbm>> -> memref<10000x128xf32, #tpu.memory_space<hbm>>
        %dma_start3A_217 = tpu.memref_slice %arg11[%dma_start3A_210] : memref<2x!tpu.dma_semaphore, #tpu.memory_space<semaphore_mem>> -> memref<1x!tpu.dma_semaphore, #tpu.memory_space<semaphore_mem>>
        %dma_start3A_218 = tpu.memref_squeeze %dma_start3A_217 : memref<1x!tpu.dma_semaphore, #tpu.memory_space<semaphore_mem>> -> memref<!tpu.dma_semaphore, #tpu.memory_space<semaphore_mem>>
        tpu.enqueue_indirect_dma source(%dma_start3A_216 : memref<10000x128xf32, #tpu.memory_space<hbm>>) target(%arg8 : memref<128x128xf32, #tpu.memory_space<vmem>>) offsets(%dma_start3A_213 : memref<128xi32, #tpu.memory_space<vmem>>) semaphore(%dma_start3A_218 : memref<!tpu.dma_semaphore, #tpu.memory_space<semaphore_mem>>)
      } else {
      }
      %add3A_152 = arith.constant 1 : i32
      %add3A_153 = arith.addi %mul3A_106, %add3A_152 : i32
      %jit3A_154 = arith.constant 4 : i32
      %eq3A_155 = arith.constant 0 : i32
      %eq3A_156 = arith.cmpi eq, %jit3A_154, %eq3A_155 : i32
      %jit3A_157 = arith.constant 1 : i32
      %select_n3A_158 = arith.select %eq3A_156, %jit3A_157, %jit3A_154 : i32
      %rem3A_159 = arith.remsi %add3A_153, %select_n3A_158 : i32
      %ne3A_160 = arith.constant 0 : i32
      %ne3A_161 = arith.cmpi ne, %rem3A_159, %ne3A_160 : i32
      %lt3A_162 = arith.constant 0 : i32
      %lt3A_163 = arith.cmpi slt, %rem3A_159, %lt3A_162 : i32
      %lt3A_164 = arith.constant 0 : i32
      %lt3A_165 = arith.cmpi slt, %select_n3A_158, %lt3A_164 : i32
      %ne3A_166 = arith.xori %lt3A_163, %lt3A_165 : i1
      %and3A_167 = arith.andi %ne3A_166, %ne3A_161 : i1
      %add3A_168 = arith.addi %rem3A_159, %select_n3A_158 : i32
      %select_n3A_169 = arith.select %and3A_167, %add3A_168, %rem3A_159 : i32
      %dma_wait3A_170 = arith.constant 1 : i32
      %dma_wait3A_171 = arith.constant 0 : i32
      %dma_wait3A_172 = tpu.memref_slice %arg7[%add3A_153, %dma_wait3A_171] : memref<80x128xi32, #tpu.memory_space<vmem>> -> memref<1x128xi32, #tpu.memory_space<vmem>>
      %dma_wait3A_173 = tpu.memref_squeeze %dma_wait3A_172 : memref<1x128xi32, #tpu.memory_space<vmem>> -> memref<128xi32, #tpu.memory_space<vmem>>
      %dma_wait3A_174 = arith.constant 0 : i32
      %dma_wait3A_175 = arith.constant 0 : i32
      %dma_wait3A_176 = tpu.memref_slice %arg2[%dma_wait3A_174, %dma_wait3A_175] : memref<10000x128xf32, #tpu.memory_space<hbm>> -> memref<10000x128xf32, #tpu.memory_space<hbm>>
      %dma_wait3A_177 = tpu.memref_slice %arg11[%dma_wait3A_170] : memref<2x!tpu.dma_semaphore, #tpu.memory_space<semaphore_mem>> -> memref<1x!tpu.dma_semaphore, #tpu.memory_space<semaphore_mem>>
      %dma_wait3A_178 = tpu.memref_squeeze %dma_wait3A_177 : memref<1x!tpu.dma_semaphore, #tpu.memory_space<semaphore_mem>> -> memref<!tpu.dma_semaphore, #tpu.memory_space<semaphore_mem>>
      tpu.wait_indirect_dma semaphore(%dma_wait3A_178 : memref<!tpu.dma_semaphore, #tpu.memory_space<semaphore_mem>>) src(%dma_wait3A_176 : memref<10000x128xf32, #tpu.memory_space<hbm>>) dst(%arg9 : memref<128x128xf32, #tpu.memory_space<vmem>>)
      %dma_wait3A_179 = arith.constant 0 : i32
      %dma_wait3A_180 = tpu.memref_slice %arg10[%select_n3A_169, %dma_wait3A_179] : memref<4x128xi32, #tpu.memory_space<vmem>> -> memref<1x128xi32, #tpu.memory_space<vmem>>
      %dma_wait3A_181 = tpu.memref_squeeze %dma_wait3A_180 : memref<1x128xi32, #tpu.memory_space<vmem>> -> memref<128xi32, #tpu.memory_space<vmem>>
      %dma_wait3A_182 = arith.constant 0 : i32
      %dma_wait3A_183 = tpu.memref_slice %arg4[%add3A, %add3A_153, %dma_wait3A_182] : memref<32x80x128xi32, #tpu.memory_space<hbm>> -> memref<1x1x128xi32, #tpu.memory_space<hbm>>
      %dma_wait3A_184 = tpu.memref_squeeze %dma_wait3A_183 : memref<1x1x128xi32, #tpu.memory_space<hbm>> -> memref<128xi32, #tpu.memory_space<hbm>>
      %dma_wait3A_185 = tpu.memref_slice %arg12[%select_n3A_169] : memref<4x!tpu.dma_semaphore, #tpu.memory_space<semaphore_mem>> -> memref<1x!tpu.dma_semaphore, #tpu.memory_space<semaphore_mem>>
      %dma_wait3A_186 = tpu.memref_squeeze %dma_wait3A_185 : memref<1x!tpu.dma_semaphore, #tpu.memory_space<semaphore_mem>> -> memref<!tpu.dma_semaphore, #tpu.memory_space<semaphore_mem>>
      %dma_wait3A_187 = arith.constant 0 : i32
      %dma_wait3A_188 = tpu.memref_slice %arg10[%select_n3A_169, %dma_wait3A_187] : memref<4x128xi32, #tpu.memory_space<vmem>> -> memref<1x128xi32, #tpu.memory_space<vmem>>
      %dma_wait3A_189 = tpu.memref_squeeze %dma_wait3A_188 : memref<1x128xi32, #tpu.memory_space<vmem>> -> memref<128xi32, #tpu.memory_space<vmem>>
      %dma_wait3A_190 = arith.constant 0 : i32
      %dma_wait3A_191 = tpu.memref_slice %arg4[%add3A, %add3A_153, %dma_wait3A_190] : memref<32x80x128xi32, #tpu.memory_space<hbm>> -> memref<1x1x128xi32, #tpu.memory_space<hbm>>
      %dma_wait3A_192 = tpu.memref_squeeze %dma_wait3A_191 : memref<1x1x128xi32, #tpu.memory_space<hbm>> -> memref<128xi32, #tpu.memory_space<hbm>>
      tpu.wait_dma2 semaphore(%dma_wait3A_186 : memref<!tpu.dma_semaphore, #tpu.memory_space<semaphore_mem>>) src(%dma_wait3A_192 : memref<128xi32, #tpu.memory_space<hbm>>) dst(%dma_wait3A_189 : memref<128xi32, #tpu.memory_space<vmem>>)
      "tpu.region"() ({
        %run_scoped3A = tpu.sem_alloc : memref<!tpu.dma_semaphore, #tpu.memory_space<semaphore_mem>>
        %dma_start3A_208 = arith.constant 0 : i32
        %dma_start3A_209 = tpu.memref_slice %arg10[%select_n3A_169, %dma_start3A_208] : memref<4x128xi32, #tpu.memory_space<vmem>> -> memref<1x128xi32, #tpu.memory_space<vmem>>
        %dma_start3A_210 = tpu.memref_squeeze %dma_start3A_209 : memref<1x128xi32, #tpu.memory_space<vmem>> -> memref<128xi32, #tpu.memory_space<vmem>>
        %dma_start3A_211 = arith.constant 0 : i32
        %dma_start3A_212 = arith.constant 0 : i32
        %dma_start3A_213 = tpu.memref_slice %arg13[%dma_start3A_211, %dma_start3A_212] : memref<10240x128xf32, #tpu.memory_space<vmem_shared>> -> memref<10240x128xf32, #tpu.memory_space<vmem_shared>>
        tpu.enqueue_indirect_dma source(%arg9 : memref<128x128xf32, #tpu.memory_space<vmem>>) target(%dma_start3A_213 : memref<10240x128xf32, #tpu.memory_space<vmem_shared>>) offsets(%dma_start3A_210 : memref<128xi32, #tpu.memory_space<vmem>>) semaphore(%run_scoped3A : memref<!tpu.dma_semaphore, #tpu.memory_space<semaphore_mem>>) {add = true}
        %dma_wait3A_214 = arith.constant 0 : i32
        %dma_wait3A_215 = tpu.memref_slice %arg10[%select_n3A_169, %dma_wait3A_214] : memref<4x128xi32, #tpu.memory_space<vmem>> -> memref<1x128xi32, #tpu.memory_space<vmem>>
        %dma_wait3A_216 = tpu.memref_squeeze %dma_wait3A_215 : memref<1x128xi32, #tpu.memory_space<vmem>> -> memref<128xi32, #tpu.memory_space<vmem>>
        %dma_wait3A_217 = arith.constant 0 : i32
        %dma_wait3A_218 = arith.constant 0 : i32
        %dma_wait3A_219 = tpu.memref_slice %arg13[%dma_wait3A_217, %dma_wait3A_218] : memref<10240x128xf32, #tpu.memory_space<vmem_shared>> -> memref<10240x128xf32, #tpu.memory_space<vmem_shared>>
        tpu.wait_indirect_dma semaphore(%run_scoped3A : memref<!tpu.dma_semaphore, #tpu.memory_space<semaphore_mem>>) src(%arg9 : memref<128x128xf32, #tpu.memory_space<vmem>>) dst(%dma_wait3A_219 : memref<10240x128xf32, #tpu.memory_space<vmem_shared>>)
        tpu.yield
      }) : () -> ()
      %add3A_193 = arith.constant 4 : i32
      %add3A_194 = arith.addi %add3A_153, %add3A_193 : i32
      %lt3A_195 = arith.constant 80 : i32
      %lt3A_196 = arith.cmpi slt, %add3A_194, %lt3A_195 : i32
      %convert_element_type3A_197 = arith.extui %lt3A_196 : i1 to i32
      %cond3A_198 = arith.constant 0 : i32
      %cond3A_199 = arith.cmpi ne, %convert_element_type3A_197, %cond3A_198 : i32
      scf.if %cond3A_199 {
        %add3A_208 = arith.constant 4 : i32
        %add3A_209 = arith.addi %add3A_153, %add3A_208 : i32
        %dma_start3A_210 = arith.constant 0 : i32
        %dma_start3A_211 = tpu.memref_slice %arg10[%select_n3A_169, %dma_start3A_210] : memref<4x128xi32, #tpu.memory_space<vmem>> -> memref<1x128xi32, #tpu.memory_space<vmem>>
        %dma_start3A_212 = tpu.memref_squeeze %dma_start3A_211 : memref<1x128xi32, #tpu.memory_space<vmem>> -> memref<128xi32, #tpu.memory_space<vmem>>
        %dma_start3A_213 = arith.constant 0 : i32
        %dma_start3A_214 = tpu.memref_slice %arg4[%add3A, %add3A_209, %dma_start3A_213] : memref<32x80x128xi32, #tpu.memory_space<hbm>> -> memref<1x1x128xi32, #tpu.memory_space<hbm>>
        %dma_start3A_215 = tpu.memref_squeeze %dma_start3A_214 : memref<1x1x128xi32, #tpu.memory_space<hbm>> -> memref<128xi32, #tpu.memory_space<hbm>>
        %dma_start3A_216 = tpu.memref_slice %arg12[%select_n3A_169] : memref<4x!tpu.dma_semaphore, #tpu.memory_space<semaphore_mem>> -> memref<1x!tpu.dma_semaphore, #tpu.memory_space<semaphore_mem>>
        %dma_start3A_217 = tpu.memref_squeeze %dma_start3A_216 : memref<1x!tpu.dma_semaphore, #tpu.memory_space<semaphore_mem>> -> memref<!tpu.dma_semaphore, #tpu.memory_space<semaphore_mem>>
        %dma_start3A_218 = arith.constant 0 : i32
        %dma_start3A_219 = tpu.memref_slice %arg10[%select_n3A_169, %dma_start3A_218] : memref<4x128xi32, #tpu.memory_space<vmem>> -> memref<1x128xi32, #tpu.memory_space<vmem>>
        %dma_start3A_220 = tpu.memref_squeeze %dma_start3A_219 : memref<1x128xi32, #tpu.memory_space<vmem>> -> memref<128xi32, #tpu.memory_space<vmem>>
        %dma_start3A_221 = arith.constant 0 : i32
        %dma_start3A_222 = tpu.memref_slice %arg4[%add3A, %add3A_209, %dma_start3A_221] : memref<32x80x128xi32, #tpu.memory_space<hbm>> -> memref<1x1x128xi32, #tpu.memory_space<hbm>>
        %dma_start3A_223 = tpu.memref_squeeze %dma_start3A_222 : memref<1x1x128xi32, #tpu.memory_space<hbm>> -> memref<128xi32, #tpu.memory_space<hbm>>
        tpu.enqueue_dma source(%dma_start3A_223 : memref<128xi32, #tpu.memory_space<hbm>>) target(%dma_start3A_220 : memref<128xi32, #tpu.memory_space<vmem>>) target_semaphore(%dma_start3A_217 : memref<!tpu.dma_semaphore, #tpu.memory_space<semaphore_mem>>)
      } else {
      }
      %add3A_200 = arith.constant 2 : i32
      %add3A_201 = arith.addi %add3A_153, %add3A_200 : i32
      %lt3A_202 = arith.constant 80 : i32
      %lt3A_203 = arith.cmpi slt, %add3A_201, %lt3A_202 : i32
      %convert_element_type3A_204 = arith.extui %lt3A_203 : i1 to i32
      %cond3A_205 = arith.constant 0 : i32
      %cond3A_206 = arith.cmpi ne, %convert_element_type3A_204, %cond3A_205 : i32
      scf.if %cond3A_206 {
        %add3A_208 = arith.constant 2 : i32
        %add3A_209 = arith.addi %add3A_153, %add3A_208 : i32
        %dma_start3A_210 = arith.constant 1 : i32
        %dma_start3A_211 = arith.constant 0 : i32
        %dma_start3A_212 = tpu.memref_slice %arg7[%add3A_209, %dma_start3A_211] : memref<80x128xi32, #tpu.memory_space<vmem>> -> memref<1x128xi32, #tpu.memory_space<vmem>>
        %dma_start3A_213 = tpu.memref_squeeze %dma_start3A_212 : memref<1x128xi32, #tpu.memory_space<vmem>> -> memref<128xi32, #tpu.memory_space<vmem>>
        %dma_start3A_214 = arith.constant 0 : i32
        %dma_start3A_215 = arith.constant 0 : i32
        %dma_start3A_216 = tpu.memref_slice %arg2[%dma_start3A_214, %dma_start3A_215] : memref<10000x128xf32, #tpu.memory_space<hbm>> -> memref<10000x128xf32, #tpu.memory_space<hbm>>
        %dma_start3A_217 = tpu.memref_slice %arg11[%dma_start3A_210] : memref<2x!tpu.dma_semaphore, #tpu.memory_space<semaphore_mem>> -> memref<1x!tpu.dma_semaphore, #tpu.memory_space<semaphore_mem>>
        %dma_start3A_218 = tpu.memref_squeeze %dma_start3A_217 : memref<1x!tpu.dma_semaphore, #tpu.memory_space<semaphore_mem>> -> memref<!tpu.dma_semaphore, #tpu.memory_space<semaphore_mem>>
        tpu.enqueue_indirect_dma source(%dma_start3A_216 : memref<10000x128xf32, #tpu.memory_space<hbm>>) target(%arg9 : memref<128x128xf32, #tpu.memory_space<vmem>>) offsets(%dma_start3A_213 : memref<128xi32, #tpu.memory_space<vmem>>) semaphore(%dma_start3A_218 : memref<!tpu.dma_semaphore, #tpu.memory_space<semaphore_mem>>)
      } else {
      }
      %scan3A_207 = arith.constant 0 : i32
      scf.yield %scan3A_207 : i32
    }
    %scan3A_97 = arith.constant 40 : i32
    %barrier3A_98 = arith.constant 0 : index
    tpu.barrier barrier_id(%barrier3A_98)
    %mul3A_99 = arith.constant 640 : i32
    %mul3A_100 = arith.muli %arg1, %mul3A_99 : i32
    %mul3A_101 = arith.constant 640 : i32
    %mul3A_102 = arith.muli %arg1, %mul3A_101 : i32
    "tpu.region"() ({
      %run_scoped3A = tpu.sem_alloc : memref<!tpu.dma_semaphore, #tpu.memory_space<semaphore_mem>>
      %dma_start3A_103 = arith.constant 0 : i32
      %dma_start3A_104 = tpu.memref_slice %arg6[%arg0, %mul3A_102, %dma_start3A_103] : memref<2x10240x128xf32, #tpu.memory_space<hbm>> -> memref<1x640x128xf32, #tpu.memory_space<hbm>>
      %dma_start3A_105 = tpu.memref_squeeze %dma_start3A_104 : memref<1x640x128xf32, #tpu.memory_space<hbm>> -> memref<640x128xf32, #tpu.memory_space<hbm>>
      %dma_start3A_106 = arith.constant 0 : i32
      %dma_start3A_107 = tpu.memref_slice %arg13[%mul3A_100, %dma_start3A_106] : memref<10240x128xf32, #tpu.memory_space<vmem_shared>> -> memref<640x128xf32, #tpu.memory_space<vmem_shared>>
      tpu.enqueue_dma source(%dma_start3A_107 : memref<640x128xf32, #tpu.memory_space<vmem_shared>>) target(%dma_start3A_105 : memref<640x128xf32, #tpu.memory_space<hbm>>) target_semaphore(%run_scoped3A : memref<!tpu.dma_semaphore, #tpu.memory_space<semaphore_mem>>)
      %dma_wait3A = arith.constant 0 : i32
      %dma_wait3A_108 = tpu.memref_slice %arg6[%arg0, %mul3A_102, %dma_wait3A] : memref<2x10240x128xf32, #tpu.memory_space<hbm>> -> memref<1x640x128xf32, #tpu.memory_space<hbm>>
      %dma_wait3A_109 = tpu.memref_squeeze %dma_wait3A_108 : memref<1x640x128xf32, #tpu.memory_space<hbm>> -> memref<640x128xf32, #tpu.memory_space<hbm>>
      %dma_wait3A_110 = arith.constant 0 : i32
      %dma_wait3A_111 = tpu.memref_slice %arg13[%mul3A_100, %dma_wait3A_110] : memref<10240x128xf32, #tpu.memory_space<vmem_shared>> -> memref<640x128xf32, #tpu.memory_space<vmem_shared>>
      tpu.wait_dma2 semaphore(%run_scoped3A : memref<!tpu.dma_semaphore, #tpu.memory_space<semaphore_mem>>) src(%dma_wait3A_111 : memref<640x128xf32, #tpu.memory_space<vmem_shared>>) dst(%dma_wait3A_109 : memref<640x128xf32, #tpu.memory_space<hbm>>)
      tpu.yield
    }) : () -> ()
    return
  }
}

module attributes {stable_mosaic.version = 14 : i64} {
  func.func @_tc_pre_body(%arg0: memref<32x10240xf32, #tpu.memory_space<vmem>>, %arg1: memref<10000x128xf32, #tpu.memory_space<vmem>>, %arg2: memref<128x128xf32, #tpu.memory_space<vmem>>, %arg3: memref<128x128xf32, #tpu.memory_space<vmem>>, %arg4: memref<1x128xf32, #tpu.memory_space<vmem>>, %arg5: memref<10000x1xf32, #tpu.memory_space<vmem>>, %arg6: memref<10000x128xf32, #tpu.memory_space<vmem>>, %arg7: memref<10000x128xf32, #tpu.memory_space<vmem>>) attributes {dimension_semantics = [], scalar_prefetch = 0 : i64, scratch_operands = 0 : i64, tpu.core_type = #tpu.core_type<tc>} {
    %get3A = arith.constant 0 : index
    %get3A_0 = arith.constant 0 : index
    %get3A_1 = vector.load %arg0[%get3A, %get3A_0] : memref<32x10240xf32, #tpu.memory_space<vmem>>, vector<32x10240xf32>
    %reduce_sum3A = arith.constant dense<0.000000e+00> : vector<10240xf32>
    %reduce_sum3A_2 = vector.multi_reduction <add>, %get3A_1, %reduce_sum3A [0] : vector<32x10240xf32> to vector<10240xf32>
    %slice3A = vector.extract_strided_slice %reduce_sum3A_2 {offsets = [0], sizes = [10000], strides = [1]} : vector<10240xf32> to vector<10000xf32>
    %broadcast_in_dim3A = vector.shape_cast %slice3A : vector<10000xf32> to vector<10000x1xf32>
    %gt3A = arith.constant 0.000000e+00 : f32
    %gt3A_3 = vector.broadcast %gt3A : f32 to vector<10000x1xf32>
    %gt3A_4 = arith.cmpf ogt, %broadcast_in_dim3A, %gt3A_3 : vector<10000x1xf32>
    %sqrt3A = math.sqrt %broadcast_in_dim3A : vector<10000x1xf32>
    %div3A = arith.constant 1.000000e+00 : f32
    %div3A_5 = vector.broadcast %div3A : f32 to vector<10000x1xf32>
    %div3A_6 = arith.divf %div3A_5, %sqrt3A : vector<10000x1xf32>
    %jit3A = arith.constant 0.000000e+00 : f32
    %broadcast_in_dim3A_7 = vector.broadcast %jit3A : f32 to vector<10000x1xf32>
    %select_n3A = arith.select %gt3A_4, %div3A_6, %broadcast_in_dim3A_7 : vector<10000x1xi1>, vector<10000x1xf32>
    %swap3A = arith.constant 0 : index
    %swap3A_8 = arith.constant 0 : index
    %swap3A_9 = vector.load %arg5[%swap3A, %swap3A_8] : memref<10000x1xf32, #tpu.memory_space<vmem>>, vector<10000x1xf32>
    tpu.vector_store %arg5[%swap3A, %swap3A_8], %select_n3A {strides = array<i32>} : memref<10000x1xf32, #tpu.memory_space<vmem>>, vector<10000x1xf32>,
    %get3A_10 = arith.constant 0 : index
    %get3A_11 = arith.constant 0 : index
    %get3A_12 = vector.load %arg1[%get3A_10, %get3A_11] : memref<10000x128xf32, #tpu.memory_space<vmem>>, vector<10000x128xf32>
    %get3A_13 = arith.constant 0 : index
    %get3A_14 = arith.constant 0 : index
    %get3A_15 = vector.load %arg3[%get3A_13, %get3A_14] : memref<128x128xf32, #tpu.memory_space<vmem>>, vector<128x128xf32>
    %dot_general3A = arith.constant dense<0.000000e+00> : vector<10000x128xf32>
    %dot_general3A_16 = tpu.matmul %get3A_12, %get3A_15, %dot_general3A {dimension_numbers = #tpu.dot_dimension_numbers<[1], [0], [0], [1], [0, 0, 1, 1], [], []>, transpose_lhs_hint = false} : vector<10000x128xf32>, vector<128x128xf32>, vector<10000x128xf32> -> vector<10000x128xf32>
    %mul3A = vector.broadcast %select_n3A : vector<10000x1xf32> to vector<10000x128xf32>
    %mul3A_17 = arith.mulf %mul3A, %dot_general3A_16 : vector<10000x128xf32>
    %swap3A_18 = arith.constant 0 : index
    %swap3A_19 = arith.constant 0 : index
    %swap3A_20 = vector.load %arg6[%swap3A_18, %swap3A_19] : memref<10000x128xf32, #tpu.memory_space<vmem>>, vector<10000x128xf32>
    tpu.vector_store %arg6[%swap3A_18, %swap3A_19], %mul3A_17 {strides = array<i32>} : memref<10000x128xf32, #tpu.memory_space<vmem>>, vector<10000x128xf32>,
    %get3A_21 = arith.constant 0 : index
    %get3A_22 = arith.constant 0 : index
    %get3A_23 = vector.load %arg2[%get3A_21, %get3A_22] : memref<128x128xf32, #tpu.memory_space<vmem>>, vector<128x128xf32>
    %dot_general3A_24 = arith.constant dense<0.000000e+00> : vector<10000x128xf32>
    %dot_general3A_25 = tpu.matmul %get3A_12, %get3A_23, %dot_general3A_24 {dimension_numbers = #tpu.dot_dimension_numbers<[1], [0], [0], [1], [0, 0, 1, 1], [], []>, transpose_lhs_hint = false} : vector<10000x128xf32>, vector<128x128xf32>, vector<10000x128xf32> -> vector<10000x128xf32>
    %get3A_26 = arith.constant 0 : index
    %get3A_27 = arith.constant 0 : index
    %get3A_28 = vector.load %arg4[%get3A_26, %get3A_27] : memref<1x128xf32, #tpu.memory_space<vmem>>, vector<1x128xf32>
    %add3A = vector.broadcast %get3A_28 : vector<1x128xf32> to vector<10000x128xf32>
    %add3A_29 = arith.addf %dot_general3A_25, %add3A : vector<10000x128xf32>
    %swap3A_30 = arith.constant 0 : index
    %swap3A_31 = arith.constant 0 : index
    %swap3A_32 = vector.load %arg7[%swap3A_30, %swap3A_31] : memref<10000x128xf32, #tpu.memory_space<vmem>>, vector<10000x128xf32>
    tpu.vector_store %arg7[%swap3A_30, %swap3A_31], %add3A_29 {strides = array<i32>} : memref<10000x128xf32, #tpu.memory_space<vmem>>, vector<10000x128xf32>,
    return
  }
}

module attributes {stable_mosaic.version = 14 : i64} {
  func.func @_tc_mid_body(%arg0: memref<2x10240x128xf32, #tpu.memory_space<vmem>>, %arg1: memref<10000x1xf32, #tpu.memory_space<vmem>>, %arg2: memref<10000x128xf32, #tpu.memory_space<vmem>>, %arg3: memref<1x128xf32, #tpu.memory_space<vmem>>, %arg4: memref<1x128xf32, #tpu.memory_space<vmem>>, %arg5: memref<128x128xf32, #tpu.memory_space<vmem>>, %arg6: memref<128x128xf32, #tpu.memory_space<vmem>>, %arg7: memref<1x128xf32, #tpu.memory_space<vmem>>, %arg8: memref<10000x128xf32, #tpu.memory_space<vmem>>, %arg9: memref<10000x128xf32, #tpu.memory_space<vmem>>) attributes {dimension_semantics = [], scalar_prefetch = 0 : i64, scratch_operands = 0 : i64, tpu.core_type = #tpu.core_type<tc>} {
    %get3A = arith.constant 0 : index
    %get3A_0 = arith.constant 0 : index
    %get3A_1 = vector.load %arg1[%get3A, %get3A_0] : memref<10000x1xf32, #tpu.memory_space<vmem>>, vector<10000x1xf32>
    %get3A_2 = arith.constant 0 : index
    %get3A_3 = arith.constant 0 : index
    %get3A_4 = vector.load %arg2[%get3A_2, %get3A_3] : memref<10000x128xf32, #tpu.memory_space<vmem>>, vector<10000x128xf32>
    %get3A_5 = arith.constant 0 : index
    %get3A_6 = arith.constant 0 : index
    %get3A_7 = arith.constant 0 : index
    %get3A_8 = vector.load %arg0[%get3A_5, %get3A_6, %get3A_7] : memref<2x10240x128xf32, #tpu.memory_space<vmem>>, vector<1x10000x128xf32>
    %get3A_9 = vector.shape_cast %get3A_8 : vector<1x10000x128xf32> to vector<10000x128xf32>
    %get3A_10 = arith.constant 1 : index
    %get3A_11 = arith.constant 0 : index
    %get3A_12 = arith.constant 0 : index
    %get3A_13 = vector.load %arg0[%get3A_10, %get3A_11, %get3A_12] : memref<2x10240x128xf32, #tpu.memory_space<vmem>>, vector<1x10000x128xf32>
    %get3A_14 = vector.shape_cast %get3A_13 : vector<1x10000x128xf32> to vector<10000x128xf32>
    %add3A = arith.addf %get3A_9, %get3A_14 : vector<10000x128xf32>
    %mul3A = vector.broadcast %get3A_1 : vector<10000x1xf32> to vector<10000x128xf32>
    %mul3A_15 = arith.mulf %mul3A, %add3A : vector<10000x128xf32>
    %sub3A = arith.subf %get3A_4, %mul3A_15 : vector<10000x128xf32>
    %reduce_sum3A = arith.constant dense<0.000000e+00> : vector<128xf32>
    %reduce_sum3A_16 = vector.multi_reduction <add>, %sub3A, %reduce_sum3A [0] : vector<10000x128xf32> to vector<128xf32>
    %broadcast_in_dim3A = vector.shape_cast %reduce_sum3A_16 : vector<128xf32> to vector<1x128xf32>
    %div3A = arith.constant 1.000000e+04 : f32
    %div3A_17 = vector.broadcast %div3A : f32 to vector<1x128xf32>
    %div3A_18 = arith.divf %broadcast_in_dim3A, %div3A_17 : vector<1x128xf32>
    %sub3A_19 = vector.broadcast %div3A_18 : vector<1x128xf32> to vector<10000x128xf32>
    %sub3A_20 = arith.subf %sub3A, %sub3A_19 : vector<10000x128xf32>
    %integer_pow3A = arith.mulf %sub3A_20, %sub3A_20 : vector<10000x128xf32>
    %reduce_sum3A_21 = arith.constant dense<0.000000e+00> : vector<128xf32>
    %reduce_sum3A_22 = vector.multi_reduction <add>, %integer_pow3A, %reduce_sum3A_21 [0] : vector<10000x128xf32> to vector<128xf32>
    %broadcast_in_dim3A_23 = vector.shape_cast %reduce_sum3A_22 : vector<128xf32> to vector<1x128xf32>
    %div3A_24 = arith.constant 1.000000e+04 : f32
    %div3A_25 = vector.broadcast %div3A_24 : f32 to vector<1x128xf32>
    %div3A_26 = arith.divf %broadcast_in_dim3A_23, %div3A_25 : vector<1x128xf32>
    %sub3A_27 = vector.broadcast %div3A_18 : vector<1x128xf32> to vector<10000x128xf32>
    %sub3A_28 = arith.subf %sub3A, %sub3A_27 : vector<10000x128xf32>
    %add3A_29 = arith.constant 9.99999974E-6 : f32
    %add3A_30 = vector.broadcast %add3A_29 : f32 to vector<1x128xf32>
    %add3A_31 = arith.addf %div3A_26, %add3A_30 : vector<1x128xf32>
    %sqrt3A = math.sqrt %add3A_31 : vector<1x128xf32>
    %div3A_32 = vector.broadcast %sqrt3A : vector<1x128xf32> to vector<10000x128xf32>
    %div3A_33 = arith.divf %sub3A_28, %div3A_32 : vector<10000x128xf32>
    %get3A_34 = arith.constant 0 : index
    %get3A_35 = arith.constant 0 : index
    %get3A_36 = vector.load %arg3[%get3A_34, %get3A_35] : memref<1x128xf32, #tpu.memory_space<vmem>>, vector<1x128xf32>
    %mul3A_37 = vector.broadcast %get3A_36 : vector<1x128xf32> to vector<10000x128xf32>
    %mul3A_38 = arith.mulf %mul3A_37, %div3A_33 : vector<10000x128xf32>
    %get3A_39 = arith.constant 0 : index
    %get3A_40 = arith.constant 0 : index
    %get3A_41 = vector.load %arg4[%get3A_39, %get3A_40] : memref<1x128xf32, #tpu.memory_space<vmem>>, vector<1x128xf32>
    %add3A_42 = vector.broadcast %get3A_41 : vector<1x128xf32> to vector<10000x128xf32>
    %add3A_43 = arith.addf %mul3A_38, %add3A_42 : vector<10000x128xf32>
    %gt3A = arith.constant 0.000000e+00 : f32
    %gt3A_44 = vector.broadcast %gt3A : f32 to vector<10000x128xf32>
    %gt3A_45 = arith.cmpf ogt, %add3A_43, %gt3A_44 : vector<10000x128xf32>
    %mul3A_46 = arith.constant 0.00999999977 : f32
    %mul3A_47 = vector.broadcast %mul3A_46 : f32 to vector<10000x128xf32>
    %mul3A_48 = arith.mulf %mul3A_47, %add3A_43 : vector<10000x128xf32>
    %select_n3A = arith.select %gt3A_45, %add3A_43, %mul3A_48 : vector<10000x128xi1>, vector<10000x128xf32>
    %get3A_49 = arith.constant 0 : index
    %get3A_50 = arith.constant 0 : index
    %get3A_51 = vector.load %arg6[%get3A_49, %get3A_50] : memref<128x128xf32, #tpu.memory_space<vmem>>, vector<128x128xf32>
    %dot_general3A = arith.constant dense<0.000000e+00> : vector<10000x128xf32>
    %dot_general3A_52 = tpu.matmul %select_n3A, %get3A_51, %dot_general3A {dimension_numbers = #tpu.dot_dimension_numbers<[1], [0], [0], [1], [0, 0, 1, 1], [], []>, transpose_lhs_hint = false} : vector<10000x128xf32>, vector<128x128xf32>, vector<10000x128xf32> -> vector<10000x128xf32>
    %mul3A_53 = vector.broadcast %get3A_1 : vector<10000x1xf32> to vector<10000x128xf32>
    %mul3A_54 = arith.mulf %mul3A_53, %dot_general3A_52 : vector<10000x128xf32>
    %swap3A = arith.constant 0 : index
    %swap3A_55 = arith.constant 0 : index
    %swap3A_56 = vector.load %arg8[%swap3A, %swap3A_55] : memref<10000x128xf32, #tpu.memory_space<vmem>>, vector<10000x128xf32>
    tpu.vector_store %arg8[%swap3A, %swap3A_55], %mul3A_54 {strides = array<i32>} : memref<10000x128xf32, #tpu.memory_space<vmem>>, vector<10000x128xf32>,
    %get3A_57 = arith.constant 0 : index
    %get3A_58 = arith.constant 0 : index
    %get3A_59 = vector.load %arg5[%get3A_57, %get3A_58] : memref<128x128xf32, #tpu.memory_space<vmem>>, vector<128x128xf32>
    %dot_general3A_60 = arith.constant dense<0.000000e+00> : vector<10000x128xf32>
    %dot_general3A_61 = tpu.matmul %select_n3A, %get3A_59, %dot_general3A_60 {dimension_numbers = #tpu.dot_dimension_numbers<[1], [0], [0], [1], [0, 0, 1, 1], [], []>, transpose_lhs_hint = false} : vector<10000x128xf32>, vector<128x128xf32>, vector<10000x128xf32> -> vector<10000x128xf32>
    %get3A_62 = arith.constant 0 : index
    %get3A_63 = arith.constant 0 : index
    %get3A_64 = vector.load %arg7[%get3A_62, %get3A_63] : memref<1x128xf32, #tpu.memory_space<vmem>>, vector<1x128xf32>
    %add3A_65 = vector.broadcast %get3A_64 : vector<1x128xf32> to vector<10000x128xf32>
    %add3A_66 = arith.addf %dot_general3A_61, %add3A_65 : vector<10000x128xf32>
    %swap3A_67 = arith.constant 0 : index
    %swap3A_68 = arith.constant 0 : index
    %swap3A_69 = vector.load %arg9[%swap3A_67, %swap3A_68] : memref<10000x128xf32, #tpu.memory_space<vmem>>, vector<10000x128xf32>
    tpu.vector_store %arg9[%swap3A_67, %swap3A_68], %add3A_66 {strides = array<i32>} : memref<10000x128xf32, #tpu.memory_space<vmem>>, vector<10000x128xf32>,
    return
  }
}

module attributes {stable_mosaic.version = 14 : i64} {
  func.func @_tc_post_body(%arg0: memref<2x10240x128xf32, #tpu.memory_space<vmem>>, %arg1: memref<10000x1xf32, #tpu.memory_space<vmem>>, %arg2: memref<10000x128xf32, #tpu.memory_space<vmem>>, %arg3: memref<10000x1xi32, #tpu.memory_space<vmem>>, %arg4: memref<128x1xf32, #tpu.memory_space<vmem>>, %arg5: memref<1x1xf32, #tpu.memory_space<vmem>>, %arg6: memref<64x1xf32, #tpu.memory_space<vmem>>) attributes {dimension_semantics = [], scalar_prefetch = 0 : i64, scratch_operands = 0 : i64, tpu.core_type = #tpu.core_type<tc>} {
    %get3A = arith.constant 0 : index
    %get3A_0 = arith.constant 0 : index
    %get3A_1 = vector.load %arg2[%get3A, %get3A_0] : memref<10000x128xf32, #tpu.memory_space<vmem>>, vector<10000x128xf32>
    %get3A_2 = arith.constant 0 : index
    %get3A_3 = arith.constant 0 : index
    %get3A_4 = vector.load %arg1[%get3A_2, %get3A_3] : memref<10000x1xf32, #tpu.memory_space<vmem>>, vector<10000x1xf32>
    %get3A_5 = arith.constant 0 : index
    %get3A_6 = arith.constant 0 : index
    %get3A_7 = arith.constant 0 : index
    %get3A_8 = vector.load %arg0[%get3A_5, %get3A_6, %get3A_7] : memref<2x10240x128xf32, #tpu.memory_space<vmem>>, vector<1x10000x128xf32>
    %get3A_9 = vector.shape_cast %get3A_8 : vector<1x10000x128xf32> to vector<10000x128xf32>
    %get3A_10 = arith.constant 1 : index
    %get3A_11 = arith.constant 0 : index
    %get3A_12 = arith.constant 0 : index
    %get3A_13 = vector.load %arg0[%get3A_10, %get3A_11, %get3A_12] : memref<2x10240x128xf32, #tpu.memory_space<vmem>>, vector<1x10000x128xf32>
    %get3A_14 = vector.shape_cast %get3A_13 : vector<1x10000x128xf32> to vector<10000x128xf32>
    %add3A = arith.addf %get3A_9, %get3A_14 : vector<10000x128xf32>
    %mul3A = vector.broadcast %get3A_4 : vector<10000x1xf32> to vector<10000x128xf32>
    %mul3A_15 = arith.mulf %mul3A, %add3A : vector<10000x128xf32>
    %sub3A = arith.subf %get3A_1, %mul3A_15 : vector<10000x128xf32>
    %iota3A = tpu.iota {dimensions = array<i32: 1>} : vector<1x64xi32>
    %get3A_16 = arith.constant 0 : index
    %get3A_17 = arith.constant 0 : index
    %get3A_18 = vector.load %arg3[%get3A_16, %get3A_17] : memref<10000x1xi32, #tpu.memory_space<vmem>>, vector<10000x1xi32>
    %eq3A = vector.broadcast %get3A_18 : vector<10000x1xi32> to vector<10000x64xi32>
    %eq3A_19 = vector.broadcast %iota3A : vector<1x64xi32> to vector<10000x64xi32>
    %eq3A_20 = arith.cmpi eq, %eq3A, %eq3A_19 : vector<10000x64xi32>
    %convert_element_type3A = arith.extui %eq3A_20 : vector<10000x64xi1> to vector<10000x64xi32>
    %convert_element_type3A_21 = arith.sitofp %convert_element_type3A : vector<10000x64xi32> to vector<10000x64xf32>
    %dot_general3A = arith.constant dense<0.000000e+00> : vector<64x128xf32>
    %dot_general3A_22 = tpu.matmul %convert_element_type3A_21, %sub3A, %dot_general3A {dimension_numbers = #tpu.dot_dimension_numbers<[0], [0], [1], [1], [0, 1, 1, 1], [], []>, transpose_lhs_hint = false} : vector<10000x64xf32>, vector<10000x128xf32>, vector<64x128xf32> -> vector<64x128xf32>
    %reduce_sum3A = arith.constant dense<0.000000e+00> : vector<64xf32>
    %reduce_sum3A_23 = vector.multi_reduction <add>, %convert_element_type3A_21, %reduce_sum3A [0] : vector<10000x64xf32> to vector<64xf32>
    %broadcast_in_dim3A = vector.shape_cast %reduce_sum3A_23 : vector<64xf32> to vector<64x1xf32>
    %max3A = arith.constant 1.000000e+00 : f32
    %max3A_24 = vector.broadcast %max3A : f32 to vector<64x1xf32>
    %max3A_25 = arith.maximumf %broadcast_in_dim3A, %max3A_24 : vector<64x1xf32>
    %div3A = vector.broadcast %max3A_25 : vector<64x1xf32> to vector<64x128xf32>
    %div3A_26 = arith.divf %dot_general3A_22, %div3A : vector<64x128xf32>
    %get3A_27 = arith.constant 0 : index
    %get3A_28 = arith.constant 0 : index
    %get3A_29 = vector.load %arg4[%get3A_27, %get3A_28] : memref<128x1xf32, #tpu.memory_space<vmem>>, vector<128x1xf32>
    %dot_general3A_30 = arith.constant dense<0.000000e+00> : vector<64x1xf32>
    %dot_general3A_31 = tpu.matmul %div3A_26, %get3A_29, %dot_general3A_30 {dimension_numbers = #tpu.dot_dimension_numbers<[1], [0], [0], [1], [0, 0, 1, 1], [], []>, transpose_lhs_hint = false} : vector<64x128xf32>, vector<128x1xf32>, vector<64x1xf32> -> vector<64x1xf32>
    %get3A_32 = arith.constant 0 : index
    %get3A_33 = arith.constant 0 : index
    %get3A_34 = vector.load %arg5[%get3A_32, %get3A_33] : memref<1x1xf32, #tpu.memory_space<vmem>>, vector<1x1xf32>
    %add3A_35 = vector.broadcast %get3A_34 : vector<1x1xf32> to vector<64x1xf32>
    %add3A_36 = arith.addf %dot_general3A_31, %add3A_35 : vector<64x1xf32>
    %swap3A = arith.constant 0 : index
    %swap3A_37 = arith.constant 0 : index
    %swap3A_38 = vector.load %arg6[%swap3A, %swap3A_37] : memref<64x1xf32, #tpu.memory_space<vmem>>, vector<64x1xf32>
    tpu.vector_store %arg6[%swap3A, %swap3A_37], %add3A_36 {strides = array<i32>} : memref<64x1xf32, #tpu.memory_space<vmem>>, vector<64x1xf32>,
    return
  }
}

</mosaic_0001>

<sc_bundles>
// kernel: kernel.11.cloned.1.call-start
scs
__scs_entry_jumppad:
0x0: {  	(pc) =	sbr.rel $0x88, $3  }
0x1: {  	(tag) =	ssettag $0x0;
	lr =	simm.s32 $0x1  }
0x2: {  	[smem:$0x3F94] =	sst lr;
	_ =	strace $0xD0000000  }
0x3: {  	_ = 	snop  }
0x4: {  	_ = 	snop  }
0x5: {  	_ = 	snop  }
0x6: {  	_ = 	snop  }
0x7: {  	_ = 	snop  }
__scs_overlays_trampoline_lowered:
0x8: {  	[smem:$0x3FA3] =	sst s0  }
0x9: {  	[smem:$0x3FA4] =	sst s1  }
0xa: {  	[smem:$0x3FA5] =	sst s2  }
0xb: {  	[smem:$0x3FA6] =	sst s3  }
0xc: {  	[smem:$0x3FA7] =	sst s4  }
0xd: {  	[smem:$0x3FA8] =	sst s5  }
0xe: {  	[smem:$0x3FA9] =	sst s6  }
0xf: {  	[smem:$0x3FAA] =	sst s7  }
0x10: {  	[smem:$0x3FAB] =	sst s8  }
0x11: {  	[smem:$0x3FAC] =	sst s9;
	s0 =	simm.s32 @!p0 $0x0  }
0x12: {  	s1 =	sld [smem:$0x3F92];
	s0 =	simm.s32 @p0 $0x1  }
0x13: {  	[smem:$0x3FAD] =	sst s0;
	s0 =	simm.s32 @!p1 $0x0  }
0x14: {  	s2 =	sld [smem:$0x3F91];
	s0 =	simm.s32 @p1 $0x1  }
0x15: {  	[smem:$0x3FAE] =	sst s0;
	s0 =	simm.s32 @!p2 $0x0  }
0x16: {  	s3 =	sld [smem:$0x3FDB];
	s0 =	simm.s32 @p2 $0x1  }
0x17: {  	s4 =	simm.s32 $0x1BF5;
	[smem:$0x3FB0] =	sst s0  }
0x18: {  	s0 =	sld [smem:$0x3F93];
	_ =	swait.ge [sflag:s4], $0x0  }
0x19: {  	s7 =	sld [smem:$0x3F94]  }
0x1a: {  	s8 =	sadd.s32 $0xFFFFE003, lr  }
0x1b: {  	s9 =	sadd.s32 $0xFFFFFEF7, lr;
	s5 =	simm.s32 $0xFFFFFFFF;
	p2 =	slt.u32 s8, $0xFFFFF086  }
0x1c: {  	p1 =	slt.u32 s9, $0xF7A;
	s5 =	simm.s32 @!p2 $0x0  }
0x1d: {  	s5 =	simm.s32 @p1 $0x1;
	p0 =	seq.s32 s7, s2  }
0x1e: {  	s7 =	smul.u32 @!p0 $0xF7A, s2;
	p2 =	seq.s32 @!p0 s5, $0x0  }
0x1f: {  	s9 =	smul.u32 $0xF7A, s1;
	s8 =	simm.s32 @!p0 $0x1BF5;
	p2 =	por !p2, p0  }
0x20: {  	[sflag:s8] =	ssyncset.s32 @!p0 $0xFFFFF086;
	s6 =	sadd.s32 @!p0 s3, s7;
	s7 =	simm.s32 @!p0 $0x108  }
0x21: {  	s3 =	sadd.s32 s3, s9;
	s6 =	sadd.s32 @!p0 $0x88, s6;
	s7 =	simm.s32 @p2 $0x1082  }
0x22: {  	[simem:s7], [sflag:s8] =	dma.local @!p0 [hbm:s6], $0xF7A  }
0x23: {  	s9 =	sor.u32 $0xD0000000, s2;
	s6 =	simm.s32 $0x108;
	_ =	swait.ge @!p0 [sflag:s8], $0x0  }
0x24: {  	s3 =	sadd.s32 $0x88, s3;
	s6 =	simm.s32 @!p1 $0x1082;
	[sflag:s4] =	ssyncset.s32 $0xFFFFF086  }
0x25: {  	[simem:s6], [sflag:s4] =	dma.local [hbm:s3], $0xF7A  }
0x26: {  	[smem:$0x3F94] =	sst s1;
	(tag) =	ssettag s2;
	_ =	strace s9  }
0x27: {  	s1 =	sld [smem:$0x3FA4]  }
0x28: {  	s2 =	sld [smem:$0x3FA5]  }
0x29: {  	s4 =	sld [smem:$0x3FA7]  }
0x2a: {  	p0 =	seq.s32 s5, $0x0;
	s5 =	sld [smem:$0x3FA8]  }
0x2b: {  	s6 =	sld [smem:$0x3FA9]  }
0x2c: {  	s7 =	sld [smem:$0x3FAA]  }
0x2d: {  	s3 =	simm.s32 $0x108;
	s8 =	sld [smem:$0x3FAB]  }
0x2e: {  	s3 =	simm.s32 @!p0 $0x1082;
	s9 =	sld [smem:$0x3FAC]  }
0x2f: {  	lr =	sadd.s32 s0, s3;
	s0 =	sld [smem:$0x3FA3]  }
0x30: {  	s3 =	sld [smem:$0x3FA6]  }
0x31: {  	[smem:$0x3FAF] =	sst s10  }
0x32: {  	s10 =	sld [smem:$0x3FAD];
	_ =	sdelay $0x3  }
0x33: {  	p0 =	seq.s32 s10, $0x1;
	s10 =	sld [smem:$0x3FAF];
	_ =	sdelay $0x3  }
0x34: {  	[smem:$0x3FAF] =	sst s10  }
0x35: {  	s10 =	sld [smem:$0x3FAE];
	_ =	sdelay $0x3  }
0x36: {  	p1 =	seq.s32 s10, $0x1;
	s10 =	sld [smem:$0x3FAF];
	_ =	sdelay $0x3  }
0x37: {  	[smem:$0x3FAF] =	sst s10  }
0x38: {  	s10 =	sld [smem:$0x3FB0]  }
0x39: {  	_ = 	snop;
	(pc) =	sbr.ind lr, $3  }
0x3a: {  	_ = 	snop  }
0x3b: {  	_ = 	snop  }
0x3c: {  	p2 =	seq.s32 s10, $0x1;
	s10 =	sld [smem:$0x3FAF]  }
0x3d: {  	_ =	shalt  }
0x3e: {  	_ =	shalt  }
0x3f: {  	_ =	shalt  }
0x40: {  	_ =	shalt  }
0x41: {  	_ =	shalt  }
0x42: {  	_ =	shalt  }
0x43: {  	_ =	shalt  }
0x44: {  	_ =	shalt  }
0x45: {  	_ =	shalt  }
0x46: {  	_ =	shalt  }
0x47: {  	_ =	shalt  }
0x48: {  	_ =	shalt  }
0x49: {  	_ =	shalt  }
0x4a: {  	_ =	shalt  }
0x4b: {  	_ =	shalt  }
0x4c: {  	_ =	shalt  }
0x4d: {  	_ =	shalt  }
0x4e: {  	_ =	shalt  }
0x4f: {  	_ =	shalt  }
0x50: {  	_ =	shalt  }
0x51: {  	_ =	shalt  }
0x52: {  	_ =	shalt  }
0x53: {  	_ =	shalt  }
0x54: {  	_ =	shalt  }
0x55: {  	_ =	shalt  }
0x56: {  	_ =	shalt  }
0x57: {  	_ =	shalt  }
0x58: {  	_ =	shalt  }
0x59: {  	_ =	shalt  }
0x5a: {  	_ =	shalt  }
0x5b: {  	_ =	shalt  }
0x5c: {  	_ =	shalt  }
0x5d: {  	_ =	shalt  }
0x5e: {  	_ =	shalt  }
0x5f: {  	_ =	shalt  }
0x60: {  	_ =	shalt  }
0x61: {  	_ =	shalt  }
0x62: {  	_ =	shalt  }
0x63: {  	_ =	shalt  }
0x64: {  	_ =	shalt  }
0x65: {  	_ =	shalt  }
0x66: {  	_ =	shalt  }
0x67: {  	_ =	shalt  }
0x68: {  	_ =	shalt  }
0x69: {  	_ =	shalt  }
0x6a: {  	_ =	shalt  }
0x6b: {  	_ =	shalt  }
0x6c: {  	_ =	shalt  }
0x6d: {  	_ =	shalt  }
0x6e: {  	_ =	shalt  }
0x6f: {  	_ =	shalt  }
0x70: {  	_ =	shalt  }
0x71: {  	_ =	shalt  }
0x72: {  	_ =	shalt  }
0x73: {  	_ =	shalt  }
0x74: {  	_ =	shalt  }
0x75: {  	_ =	shalt  }
0x76: {  	_ =	shalt  }
0x77: {  	_ =	shalt  }
0x78: {  	_ =	shalt  }
0x79: {  	_ =	shalt  }
0x7a: {  	_ =	shalt  }
0x7b: {  	_ =	shalt  }
0x7c: {  	_ =	shalt  }
0x7d: {  	_ =	shalt  }
0x7e: {  	_ =	shalt  }
0x7f: {  	_ =	shalt  }
0x80: {  	_ =	shalt  }
0x81: {  	_ =	shalt  }
0x82: {  	_ =	shalt  }
0x83: {  	_ =	shalt  }
0x84: {  	_ =	shalt  }
0x85: {  	_ =	shalt  }
0x86: {  	_ =	shalt  }
0x87: {  	_ =	shalt  }
.Lfunc_end0:
.L_simem_size_0:
called_computation.1_lowered:
.L_overlay_start_0:
0x88: {  	s2 =	sld [smem:$0x3FD9]  }
0x89: {  	s3 =	sld [smem:$0x3FFE];
	_ =	sdelay $0x1  }
0x8a: {  	s1 =	srdreg.scid  }
0x8b: {  	s0 =	sand.u32 $0x1, s1  }
0x8c: {  	s16 =	sshll.u32 s0, $0xA;
	s2 =	sadd.s32 s3, s2  }
0x8d: {  	s2 =	sadd.s32 s2, s16  }
0x8e: {  	[smem:$0x3FBB] =	sst s2  }
0x8f: {  	_ = 	snop  }
0x90: {  	(tm) =	ssettm $0x1  }
0x91: {  	s17 =	sld [smem:$0x3FFB];
	_ =	sdelay $0x3  }
0x92: {  	_ =	strace s17  }
0x93: {  	s2 =	sld [smem:$0x3FFC];
	_ =	sdelay $0x3  }
0x94: {  	_ =	strace s2  }
0x95: {  	s2 =	sld [smem:$0x3FFD];
	_ =	sdelay $0x3  }
0x96: {  	_ =	strace s2  }
0x97: {  	_ =	strace $0x8FFFFFFF  }
0x98: {  	s18 =	sld [smem:$0x3FDB];
	_ =	sdelay $0x1  }
0x99: {  	s19 =	simm.s32 $_scs_section_size  }
0x9a: {  	s4 =	simm.s32 $_size__tile_overlayer_lowered;
	s5 =	simm.s32 $_tile_overlayer_lowered  }
0x9b: {  	s22 =	simm.s32 $0x1BFF;
	s21 =	sshll.u32 s5, $0x1;
	s2 =	sadd.s32 s19, s18  }
0x9c: {  	s6 =	simm.s32 $0x0;
	s20 =	sshll.u32 s4, $0x1;
	s4 =	sadd.s32 s21, s2  }
0x9d: {  	[timem:s6], [sflag:s22] =	dma.local [hbm:s4], s20  }
0x9e: {  	_ =	swait.ge [sflag:s22], s20  }
0x9f: {  	s3 =	ssub.s32 $0x0, s20;
	[sflag:s22] =	ssyncset.done $0x0  }
0xa0: {  	[sflag:s22] =	ssyncadd.s32 s3;
	_ =	sdelay $0x1  }
0xa1: {  	s23 =	simm.s32 $0x1B8B  }
0xa2: {  	_ =	swait.ge [sflag:s23], $0x1  }
0xa3: {  	[sflag:s23] =	ssyncset.done $0x0  }
0xa4: {  	s25 =	simm.s32 $0x1B8E;
	s24 =	sld [smem:$0x3FFE];
	[sflag:s23] =	ssyncadd.s32 $0xFFFFFFFF  }
0xa5: {  	s26 =	simm.s32 $execute0_lowered;
	[smem:$0x3FD2] =	sst s25  }
0xa6: {  	s4 =	sshll.u32 s26, $0x1;
	_ =	strace $0x80000049;
	[dreg:$0x1] =	wrdreg $0xFFFFFFFF  }
0xa7: {  	s28 =	simm.s32 $_size_execute0_lowered;
	s2 =	sadd.s32 s2, s4;
	[dreg:$0x0] =	wrdreg $0x0  }
0xa8: {  	s4 =	sshll.u32 s28, $0x1;
	[dreg:$0x2] =	wrdreg s2  }
0xa9: {  	[dreg:$0x3] =	wrdreg s4  }
0xaa: {  	[dreg:$0x4] =	wrdreg $0xC0  }
0xab: {  	_ =	task [dreg:s6], $0x5FFFF  }
0xac: {  	[dreg:$0x1] =	wrdreg $0xFFFFFFFF  }
0xad: {  	[dreg:$0x0] =	wrdreg $0x60  }
0xae: {  	[dreg:$0x2] =	wrdreg s24  }
0xaf: {  	[dreg:$0x3] =	wrdreg $0xAA000  }
0xb0: {  	[dreg:$0x4] =	wrdreg $0x9  }
0xb1: {  	_ =	task.clear_ibuf [dreg:s6], $0x5FFFF;
	_ =	strace $0x90000049  }
0xb2: {  	s29 =	simm.s32 $0x9;
	_ =	strace $0x8000004B  }
0xb3: {  	_ =	swait.ge [sflag:s29], $0x1  }
0xb4: {  	[sflag:s29] =	ssyncadd.s32 $0xFFFFFFFF  }
0xb5: {  	_ =	strace $0x9000004B  }
0xb6: {  	_ =	sfence  }
0xb7: {  	s30 =	sld [smem:$0x0];
	_ =	sdelay $0x2  }
0xb8: {  	s31 =	sshll.u32 s1, $0xD;
	s1 =	sshrl.u32 s1, $0x2  }
0xb9: {  	s3 =	sand.u32 $0x4000, s31;
	s1 =	sadd.s32 s1, s30  }
0xba: {  	s0 =	sor.u32 s3, s0;
	s1 =	sshll.u32 s1, $0x11  }
0xbb: {  	s0 =	sor.u32 s1, s0  }
0xbc: {  	s0 =	sadd.s32 $0x8F2B, s0  }
0xbd: {  	[sflag:s0] =	ssyncadd.remote.s32 $0x1  }
0xbe: {  	_ =	sfence.sel $0xFFFF  }
0xbf: {  	[dreg:$0x0] =	wrdreg $0xFFFFFFFF;
	(pc) =	sbr.abs _section_cstart, $3  }
0xc0: {  	[dreg:$0x1] =	wrdreg $0xFFFFFFFF  }
0xc1: {  	_ =	task.clear_ibuf [dreg:s6], $0x2FFFF;
	_ =	strace $0x9FFFFFFF  }
0xc2: {  	(tm) =	ssettm $0x7FFFFFFF  }
0xc3: {  	_ =	shalt  }
tec
execute0_lowered:
.L_overlay_start_1:
0x0: {  	(tag) =	ssettag $0x1  }
0x1: {  	s0 =	srdreg.scid;
	s1 =	rddreg [dreg:$0x0]  }
0x2: {  	s13 =	stileid.u32;
	s2 =	rddreg [dreg:$0x1]  }
0x3: {  	s15 =	simm.s32 $0x7;
	s28 =	simm.s32 $0x3;
	s30 =	simm.s32 $0x4  }
0x4: {  	s29 =	simm.s32 $0x0;
	s0 =	sand.u32 $0x1, s0;
	s3 =	sshll.u32 s13, $0x1  }
0x5: {  	s7 =	smul.u32 $0x14000, s13;
	s5 =	sadd.s32 $0x2B400, s1;
	s6 =	sadd.s32 $0x21400, s1  }
0x6: {  	s12 =	smul.u32 $0x50000, s13;
	s31 =	sshll.u32 s13, $0x6;
	s4 =	sor.u32 s0, s3  }
0x7: {  	s3 =	simm.s32 $0x0;
	s9 =	smul.u32 $0x140000, s0;
	s0 =	ssub.s32 $0x2, s0  }
0x8: {  	s16 =	sor.u32 $0x1C07, s31;
	s4 =	smul.u32 $0x2800, s4;
	[smem:$0x7FF] =	sst s3  }
0x9: {  	s11 =	sshrl.u32 s7, $0x3;
	s20 =	sshrl.u32 s0, $0x1;
	s22 =	sshrl.u32 s12, $0x2  }
0xa: {  	_ =	strace $0x8000004A;
	s7 =	sadd.s32 s7, s9;
	s11 =	sadd.s32 s11, s1  }
0xb: {  	s0 =	ssub.s32 s0, s20;
	s9 =	simm.s32 $0xA800;
	s8 =	sshrl.u32 s4, $0x3  }
0xc: {  	s7 =	sshrl.u32 s7, $0x3;
	s23 =	sadd.s32 $0x52600, s11;
	s0 =	smax.u32 s0, $0x1  }
0xd: {  	s11 =	simm.s32 $0xA900;
	s10 =	sadd.s32 s8, s1;
	s1 =	sadd.s32 s7, s1  }
0xe: {  	s8 =	sadd.s32 s6, s8;
	s7 =	sadd.s32 s22, s2;
	[dreg:$0x4] =	wrdreg s23  }
0xf: {  	[dreg:$0x9] =	wrdreg s0;
	s22 =	simm.s32 $0x80;
	s21 =	sadd.s32 $0x2E00, s10  }
0x10: {  	s23 =	simm.s32 $0x2800;
	s24 =	sadd.s32 $0x10, s8;
	[dreg:$0x3] =	wrdreg s21  }
0x11: {  	s0 =	simm.s32 $0x6;
	s25 =	sadd.s32 $0x20, s8;
	[dreg:$0x5] =	wrdreg s24  }
0x12: {  	s26 =	sadd.s32 $0x30, s8;
	s1 =	sadd.s32 $0x7A600, s1;
	[dreg:$0x6] =	wrdreg s25  }
0x13: {  	s17 =	sshrl.u32 s7, $0x3;
	s10 =	simm.s32 $0xA880;
	[dreg:$0x7] =	wrdreg s26  }
0x14: {  	[dreg:$0x8] =	wrdreg s1;
	s21 =	simm.s32 $0xA980;
	s24 =	simm.s32 $0x6800  }
0x15: {  	s25 =	simm.s32 $0x1;
	s26 =	simm.s32 $0x2;
	s1 =	simm.s32 $0x5  }
.LBB2_1:
0x16: {  	s7 =	rddreg [dreg:$0x3]  }
0x17: {  	[tilespmem:s3], [sflag:$0x7] =	stream.linear.gather [hbm4b:s7+s3], $0x2800, $0x38;
	[tilespmem:$0x1EA00] =	vst v63  }
0x18: {  	_ =	swait.ge [sflag:s15], $0x2800  }
0x19: {  	[sflag:s15] =	ssyncset.done $0x0  }
0x1a: {  	s18 =	rddreg [dreg:$0x4];
	[sflag:s15] =	ssyncadd.s32 $0xFFFFD800  }
0x1b: {  	[spmem:s17], [sflag:s16] =	dma.local [hbm:s18], $0x2800  }
0x1c: {  	_ =	swait.ge [sflag:s15], $0x2800  }
0x1d: {  	[sflag:s15] =	ssyncset.done $0x0  }
0x1e: {  	[sflag:s15] =	ssyncadd.s32 $0xFFFFD800  }
0x1f: {  	[tilespmem:s9], [sflag:$0x3] =	stream.linear.gather [hbm4b:s8+s3], $0x80, $0x38;
	[tilespmem:$0x1EA00] =	vst v63  }
0x20: {  	s19 =	rddreg [dreg:$0x5]  }
0x21: {  	[tilespmem:s10], [sflag:$0x4] =	stream.linear.gather [hbm4b:s19+s3], $0x80, $0x38;
	[tilespmem:$0x1EA00] =	vst v63  }
0x22: {  	s20 =	rddreg [dreg:$0x6]  }
0x23: {  	[tilespmem:s11], [sflag:$0x5] =	stream.linear.gather [hbm4b:s20+s3], $0x80, $0x38;
	[tilespmem:$0x1EA00] =	vst v63  }
0x24: {  	s9 =	rddreg [dreg:$0x7]  }
0x25: {  	[tilespmem:s21], [sflag:$0x6] =	stream.linear.gather [hbm4b:s9+s3], $0x80, $0x38;
	[tilespmem:$0x1EA00] =	vst v63  }
0x26: {  	_ = 	snop  }
0x27: {  	[tilespmem:s23], [sflag:$0x1] =	stream.indirect.gather [hbm4b:s5+s22], $0x80, s3, s22, $0xb8;
	[tilespmem:$0x1EA00] =	vst v63  }
0x28: {  	_ = 	snop  }
0x29: {  	[tilespmem:s24], [sflag:$0x2] =	stream.indirect.gather [hbm4b:s5+s22], $0x80, s22, s22, $0xb8;
	[tilespmem:$0x1EA00] =	vst v63  }
0x2a: {  	[bflag:$0x0] =	sbarrier.arrive $0xFFFF  }
0x2b: {  	_ =	swait.ge [sflag:s25], $0x4000  }
0x2c: {  	s10 =	sand.u32 $0x2, s3;
	[sflag:s25] =	ssyncset.done $0x0  }
0x2d: {  	s31 =	simm.s32 $0x200;
	s11 =	sadd.s32 $0x3, s10;
	[sflag:s25] =	ssyncadd.s32 $0xFFFFC000  }
0x2e: {  	s12 =	sand.u32 $0x7C00, s31;
	_ =	swait.ge [sflag:s11], $0x80  }
0x2f: {  	s31 =	sand.u32 $0x300, s31;
	s13 =	sshll.u32 s10, $0x7;
	[sflag:s11] =	ssyncset.done $0x0  }
0x30: {  	s12 =	sadd.s32 s4, s12;
	s14 =	sor.u32 $0xA800, s13;
	[sflag:s11] =	ssyncadd.s32 $0xFFFFFF80  }
0x31: {  	[spmem:s2] =	stream.indirect.scatter.add.f32 [tilespmem:s23], [sflag:$0x7], $0x80, s14, s22, $0xb8;
	[tilespmem:$0x1EA00] =	vst v63  }
0x32: {  	s12 =	sor.u32 s31, s12;
	_ =	swait.ge [sflag:s15], $0x4000  }
0x33: {  	s12 =	sshrl.u32 s12, $0x3;
	[sflag:s15] =	ssyncset.done $0x0  }
0x34: {  	s12 =	sadd.s32 s6, s12;
	[sflag:s15] =	ssyncadd.s32 $0xFFFFC000  }
0x35: {  	[tilespmem:s14], [sflag:s11] =	stream.linear.gather [hbm4b:s12+s3], $0x80, $0x38;
	[tilespmem:$0x1EA00] =	vst v63  }
0x36: {  	s18 =	simm.s32 $0x100  }
0x37: {  	[tilespmem:s23], [sflag:$0x1] =	stream.indirect.gather [hbm4b:s5+s22], $0x80, s18, s22, $0xb8;
	[tilespmem:$0x1EA00] =	vst v63  }
0x38: {  	_ =	swait.ge [sflag:s26], $0x4000  }
0x39: {  	[sflag:s26] =	ssyncset.done $0x0  }
0x3a: {  	s7 =	sor.u32 $0x4, s10;
	[sflag:s26] =	ssyncadd.s32 $0xFFFFC000  }
0x3b: {  	s19 =	simm.s32 $0x280;
	_ =	swait.ge [sflag:s7], $0x80  }
0x3c: {  	s10 =	sor.u32 $0xA880, s13;
	s20 =	sand.u32 $0x7C00, s19;
	[sflag:s7] =	ssyncset.done $0x0  }
0x3d: {  	s9 =	sand.u32 $0x380, s19;
	s11 =	sadd.s32 s4, s20;
	[sflag:s7] =	ssyncadd.s32 $0xFFFFFF80  }
0x3e: {  	[spmem:s2] =	stream.indirect.scatter.add.f32 [tilespmem:s24], [sflag:$0x7], $0x80, s10, s22, $0xb8;
	[tilespmem:$0x1EA00] =	vst v63  }
0x3f: {  	s9 =	sor.u32 s9, s11;
	_ =	swait.ge [sflag:s15], $0x4000  }
0x40: {  	s9 =	sshrl.u32 s9, $0x3;
	[sflag:s15] =	ssyncset.done $0x0  }
0x41: {  	s31 =	simm.s32 $0x180;
	s9 =	sadd.s32 s6, s9;
	[sflag:s15] =	ssyncadd.s32 $0xFFFFC000  }
0x42: {  	[tilespmem:s10], [sflag:s7] =	stream.linear.gather [hbm4b:s9+s3], $0x80, $0x38;
	[tilespmem:$0x1EA00] =	vst v63  }
0x43: {  	s7 =	simm.s32 $0x380;
	s9 =	simm.s32 $0x0;
	s10 =	simm.s32 $0x180  }
.LBB2_2:
0x44: {  	p0 =	sne.s32 s7, $0x2780  }
0x45: {  	s9 =	sadd.s32 $0x2, s9;
	s31 =	sadd.s32 $0x100, s31;
	s11 =	smov.u32 s7  }
0x46: {  	[tilespmem:s24], [sflag:$0x2] =	stream.indirect.gather [hbm4b:s5+s22], $0x80, s10, s22, $0xb8;
	[tilespmem:$0x1EA00] =	vst v63  }
0x47: {  	s7 =	sadd.s32 $0x100, s7;
	s10 =	smov.u32 s31;
	_ =	swait.ge [sflag:s25], $0x4000  }
0x48: {  	s12 =	sand.u32 $0x2, s9;
	[sflag:s25] =	ssyncset.done $0x0  }
0x49: {  	s13 =	sadd.s32 $0x3, s12;
	s14 =	sshll.u32 s12, $0x7;
	[sflag:s25] =	ssyncadd.s32 $0xFFFFC000  }
0x4a: {  	_ =	swait.ge [sflag:s13], $0x80  }
0x4b: {  	s18 =	sadd.s32 $0xFFFFFF80, s11;
	[sflag:s13] =	ssyncset.done $0x0  }
0x4c: {  	s20 =	sand.u32 $0x7C00, s18;
	s19 =	sor.u32 $0xA800, s14;
	[sflag:s13] =	ssyncadd.s32 $0xFFFFFF80  }
0x4d: {  	[spmem:s2] =	stream.indirect.scatter.add.f32 [tilespmem:s23], [sflag:$0x7], $0x80, s19, s22, $0xb8;
	[tilespmem:$0x1EA00] =	vst v63  }
0x4e: {  	s18 =	sand.u32 $0x300, s18;
	s20 =	sadd.s32 s4, s20;
	_ =	swait.ge [sflag:s15], $0x4000  }
0x4f: {  	s18 =	sor.u32 s18, s20;
	[sflag:s15] =	ssyncset.done $0x0  }
0x50: {  	s18 =	sshrl.u32 s18, $0x3;
	[sflag:s15] =	ssyncadd.s32 $0xFFFFC000  }
0x51: {  	s20 =	sadd.s32 $0xFFFFFF80, s31;
	s18 =	sadd.s32 s6, s18  }
0x52: {  	[tilespmem:s19], [sflag:s13] =	stream.linear.gather [hbm4b:s18+s3], $0x80, $0x38;
	[tilespmem:$0x1EA00] =	vst v63  }
0x53: {  	_ = 	snop  }
0x54: {  	[tilespmem:s23], [sflag:$0x1] =	stream.indirect.gather [hbm4b:s5+s22], $0x80, s20, s22, $0xb8;
	[tilespmem:$0x1EA00] =	vst v63  }
0x55: {  	_ =	swait.ge [sflag:s26], $0x4000  }
0x56: {  	s12 =	sor.u32 $0x4, s12;
	[sflag:s26] =	ssyncset.done $0x0  }
0x57: {  	[sflag:s26] =	ssyncadd.s32 $0xFFFFC000  }
0x58: {  	_ =	swait.ge [sflag:s12], $0x80  }
0x59: {  	s13 =	sor.u32 $0xA880, s14;
	s14 =	sand.u32 $0x7C00, s11;
	[sflag:s12] =	ssyncset.done $0x0  }
0x5a: {  	s11 =	sand.u32 $0x380, s11;
	s14 =	sadd.s32 s4, s14;
	[sflag:s12] =	ssyncadd.s32 $0xFFFFFF80  }
0x5b: {  	[spmem:s2] =	stream.indirect.scatter.add.f32 [tilespmem:s24], [sflag:$0x7], $0x80, s13, s22, $0xb8;
	[tilespmem:$0x1EA00] =	vst v63  }
.Ltmp0:
0x5c: {  	_ = 	snop;
	(pc) =	sbr.rel @p0 .LBB2_2-.Ltmp0, $4  }
0x5d: {  	s11 =	sor.u32 s11, s14;
	_ =	swait.ge [sflag:s15], $0x4000  }
0x5e: {  	s11 =	sshrl.u32 s11, $0x3;
	[sflag:s15] =	ssyncset.done $0x0  }
0x5f: {  	s11 =	sadd.s32 s6, s11;
	[sflag:s15] =	ssyncadd.s32 $0xFFFFC000  }
0x60: {  	[tilespmem:s13], [sflag:s12] =	stream.linear.gather [hbm4b:s11+s3], $0x80, $0x38;
	[tilespmem:$0x1EA00] =	vst v63  }
0x61: {  	[tilespmem:s24], [sflag:$0x2] =	stream.indirect.gather [hbm4b:s5+s22], $0x80, s10, s22, $0xb8;
	[tilespmem:$0x1EA00] =	vst v63  }
0x62: {  	_ =	swait.ge [sflag:s25], $0x4000  }
0x63: {  	[sflag:s25] =	ssyncset.done $0x0  }
0x64: {  	[sflag:s25] =	ssyncadd.s32 $0xFFFFC000  }
0x65: {  	_ =	swait.ge [sflag:s28], $0x80  }
0x66: {  	[sflag:s28] =	ssyncset.done $0x0  }
0x67: {  	s9 =	simm.s32 $0xA800;
	[sflag:s28] =	ssyncadd.s32 $0xFFFFFF80  }
0x68: {  	[spmem:s2] =	stream.indirect.scatter.add.f32 [tilespmem:s23], [sflag:$0x7], $0x80, s9, s22, $0xb8;
	[tilespmem:$0x1EA00] =	vst v63  }
0x69: {  	_ =	swait.ge [sflag:s15], $0x4000  }
0x6a: {  	[sflag:s15] =	ssyncset.done $0x0  }
0x6b: {  	s7 =	simm.s32 $0x2700;
	[sflag:s15] =	ssyncadd.s32 $0xFFFFC000  }
0x6c: {  	[tilespmem:s23], [sflag:$0x1] =	stream.indirect.gather [hbm4b:s5+s22], $0x80, s7, s22, $0xb8;
	[tilespmem:$0x1EA00] =	vst v63  }
0x6d: {  	_ =	swait.ge [sflag:s26], $0x4000  }
0x6e: {  	[sflag:s26] =	ssyncset.done $0x0  }
0x6f: {  	[sflag:s26] =	ssyncadd.s32 $0xFFFFC000  }
0x70: {  	_ =	swait.ge [sflag:s30], $0x80  }
0x71: {  	[sflag:s30] =	ssyncset.done $0x0  }
0x72: {  	s10 =	simm.s32 $0xA880;
	[sflag:s30] =	ssyncadd.s32 $0xFFFFFF80  }
0x73: {  	[spmem:s2] =	stream.indirect.scatter.add.f32 [tilespmem:s24], [sflag:$0x7], $0x80, s10, s22, $0xb8;
	[tilespmem:$0x1EA00] =	vst v63  }
0x74: {  	_ =	swait.ge [sflag:s15], $0x4000  }
0x75: {  	[sflag:s15] =	ssyncset.done $0x0  }
0x76: {  	s19 =	simm.s32 $0x2780;
	[sflag:s15] =	ssyncadd.s32 $0xFFFFC000  }
0x77: {  	[tilespmem:s24], [sflag:$0x2] =	stream.indirect.gather [hbm4b:s5+s22], $0x80, s19, s22, $0xb8;
	[tilespmem:$0x1EA00] =	vst v63  }
0x78: {  	_ =	swait.ge [sflag:s25], $0x4000  }
0x79: {  	[sflag:s25] =	ssyncset.done $0x0  }
0x7a: {  	[sflag:s25] =	ssyncadd.s32 $0xFFFFC000  }
0x7b: {  	_ =	swait.ge [sflag:s1], $0x80  }
0x7c: {  	[sflag:s1] =	ssyncset.done $0x0  }
0x7d: {  	s11 =	simm.s32 $0xA900;
	[sflag:s1] =	ssyncadd.s32 $0xFFFFFF80  }
0x7e: {  	[spmem:s2] =	stream.indirect.scatter.add.f32 [tilespmem:s23], [sflag:$0x7], $0x80, s11, s22, $0xb8;
	[tilespmem:$0x1EA00] =	vst v63  }
0x7f: {  	_ =	swait.ge [sflag:s15], $0x4000  }
0x80: {  	[sflag:s15] =	ssyncset.done $0x0  }
0x81: {  	[sflag:s15] =	ssyncadd.s32 $0xFFFFC000  }
0x82: {  	_ =	swait.ge [sflag:s26], $0x4000  }
0x83: {  	[sflag:s26] =	ssyncset.done $0x0  }
0x84: {  	[sflag:s26] =	ssyncadd.s32 $0xFFFFC000  }
0x85: {  	_ =	swait.ge [sflag:s0], $0x80  }
0x86: {  	[sflag:s0] =	ssyncset.done $0x0  }
0x87: {  	[sflag:s0] =	ssyncadd.s32 $0xFFFFFF80  }
0x88: {  	[spmem:s2] =	stream.indirect.scatter.add.f32 [tilespmem:s24], [sflag:$0x7], $0x80, s21, s22, $0xb8;
	[tilespmem:$0x1EA00] =	vst v63  }
0x89: {  	_ =	swait.ge [sflag:s15], $0x4000  }
0x8a: {  	[sflag:s15] =	ssyncset.done $0x0  }
0x8b: {  	[sflag:s15] =	ssyncadd.s32 $0xFFFFC000  }
0x8c: {  	[bflag:$0x0] =	sbarrier.arrive $0xFFFF  }
0x8d: {  	s20 =	rddreg [dreg:$0x8]  }
0x8e: {  	[hbm:s20], [sflag:s16] =	dma.local [spmem:s17], $0x2800  }
0x8f: {  	_ =	swait.ge [sflag:s15], $0x2800  }
0x90: {  	s29 =	sadd.s32 $0x1, s29;
	s31 =	rddreg [dreg:$0x9]  }
0x91: {  	p0 =	sne.s32 s29, s31  }
.Ltmp1:
0x92: {  	_ = 	snop;
	(pc) =	sbr.rel @p0 .LBB2_1-.Ltmp1, $3  }
0x93: {  	_ =	sdelay $0x1  }
0x94: {  	[sflag:s15] =	ssyncset.done $0x0  }
0x95: {  	[sflag:s15] =	ssyncadd.s32 $0xFFFFD800  }
0x96: {  	_ =	sfence.sel $0x180000  }
0x97: {  	[bflag:$0x0] =	sbarrier.arrive $0xFFFF  }
0x98: {  	_ =	strace $0x9000004A  }
0x99: {  	s0 =	stileid.u32;
	[bflag:$0x2] =	sbarrier.arrive $0xFFFF  }
0x9a: {  	p0 =	sne.s32 s0, $0x0;
	s0 =	rddreg [dreg:$0x2]  }
0x9b: {  	s0 =	sadd.s32 @!p0 $0x100000, s0  }
0x9c: {  	[sflag:s0] =	ssyncadd.tile.s32 @!p0 $0x1;
	_ =	shalt  }
.Lfunc_end2:
_tile_overlayer_lowered:
.L_overlay_start_2:
0x9d: {  	(tag) =	ssettag $0x2  }
0x9e: {  	s0 =	rddreg [dreg:$0x0];
	s2 =	stileid.u32  }
0x9f: {  	s1 =	rddreg [dreg:$0x1];
	p0 =	sne.s32 s2, $0x0  }
0xa0: {  	s3 =	rddreg [dreg:$0x2];
	[bflag:$0x3] =	sbarrier.arrive $0xFFFF;
	s2 =	simm.s32 @!p0 $0x1C07  }
0xa1: {  	[timem:s3], [sflag:s2] =	dma.local @!p0 [hbm:s0], s1  }
0xa2: {  	s0 =	simm.s32 @!p0 $0x7  }
0xa3: {  	_ =	swait.ge @!p0 [sflag:s0], s1  }
0xa4: {  	s1 =	ssub.s32 @!p0 $0x0, s1;
	[sflag:s0] =	ssyncset.done @!p0 $0x0  }
0xa5: {  	[sflag:s0] =	ssyncadd.s32 @!p0 s1  }
0xa6: {  	[bflag:$0x3] =	sbarrier.arrive $0xFFFF  }
0xa7: {  	_ =	shalt  }

// kernel: kernel.14.cloned.1.call-start
scs
__scs_entry_jumppad:
0x0: {  	(pc) =	sbr.rel $0x88, $3  }
0x1: {  	(tag) =	ssettag $0x0;
	lr =	simm.s32 $0x1  }
0x2: {  	[smem:$0x3F94] =	sst lr;
	_ =	strace $0xD0000000  }
0x3: {  	_ = 	snop  }
0x4: {  	_ = 	snop  }
0x5: {  	_ = 	snop  }
0x6: {  	_ = 	snop  }
0x7: {  	_ = 	snop  }
__scs_overlays_trampoline_lowered:
0x8: {  	[smem:$0x3FA3] =	sst s0  }
0x9: {  	[smem:$0x3FA4] =	sst s1  }
0xa: {  	[smem:$0x3FA5] =	sst s2  }
0xb: {  	[smem:$0x3FA6] =	sst s3  }
0xc: {  	[smem:$0x3FA7] =	sst s4  }
0xd: {  	[smem:$0x3FA8] =	sst s5  }
0xe: {  	[smem:$0x3FA9] =	sst s6  }
0xf: {  	[smem:$0x3FAA] =	sst s7  }
0x10: {  	[smem:$0x3FAB] =	sst s8  }
0x11: {  	[smem:$0x3FAC] =	sst s9;
	s0 =	simm.s32 @!p0 $0x0  }
0x12: {  	s1 =	sld [smem:$0x3F92];
	s0 =	simm.s32 @p0 $0x1  }
0x13: {  	[smem:$0x3FAD] =	sst s0;
	s0 =	simm.s32 @!p1 $0x0  }
0x14: {  	s2 =	sld [smem:$0x3F91];
	s0 =	simm.s32 @p1 $0x1  }
0x15: {  	[smem:$0x3FAE] =	sst s0;
	s0 =	simm.s32 @!p2 $0x0  }
0x16: {  	s3 =	sld [smem:$0x3FDB];
	s0 =	simm.s32 @p2 $0x1  }
0x17: {  	s4 =	simm.s32 $0x1BF5;
	[smem:$0x3FB0] =	sst s0  }
0x18: {  	s0 =	sld [smem:$0x3F93];
	_ =	swait.ge [sflag:s4], $0x0  }
0x19: {  	s7 =	sld [smem:$0x3F94]  }
0x1a: {  	s8 =	sadd.s32 $0xFFFFE003, lr  }
0x1b: {  	s9 =	sadd.s32 $0xFFFFFEF7, lr;
	s5 =	simm.s32 $0xFFFFFFFF;
	p2 =	slt.u32 s8, $0xFFFFF086  }
0x1c: {  	p1 =	slt.u32 s9, $0xF7A;
	s5 =	simm.s32 @!p2 $0x0  }
0x1d: {  	s5 =	simm.s32 @p1 $0x1;
	p0 =	seq.s32 s7, s2  }
0x1e: {  	s7 =	smul.u32 @!p0 $0xF7A, s2;
	p2 =	seq.s32 @!p0 s5, $0x0  }
0x1f: {  	s9 =	smul.u32 $0xF7A, s1;
	s8 =	simm.s32 @!p0 $0x1BF5;
	p2 =	por !p2, p0  }
0x20: {  	[sflag:s8] =	ssyncset.s32 @!p0 $0xFFFFF086;
	s6 =	sadd.s32 @!p0 s3, s7;
	s7 =	simm.s32 @!p0 $0x108  }
0x21: {  	s3 =	sadd.s32 s3, s9;
	s6 =	sadd.s32 @!p0 $0x88, s6;
	s7 =	simm.s32 @p2 $0x1082  }
0x22: {  	[simem:s7], [sflag:s8] =	dma.local @!p0 [hbm:s6], $0xF7A  }
0x23: {  	s9 =	sor.u32 $0xD0000000, s2;
	s6 =	simm.s32 $0x108;
	_ =	swait.ge @!p0 [sflag:s8], $0x0  }
0x24: {  	s3 =	sadd.s32 $0x88, s3;
	s6 =	simm.s32 @!p1 $0x1082;
	[sflag:s4] =	ssyncset.s32 $0xFFFFF086  }
0x25: {  	[simem:s6], [sflag:s4] =	dma.local [hbm:s3], $0xF7A  }
0x26: {  	[smem:$0x3F94] =	sst s1;
	(tag) =	ssettag s2;
	_ =	strace s9  }
0x27: {  	s1 =	sld [smem:$0x3FA4]  }
0x28: {  	s2 =	sld [smem:$0x3FA5]  }
0x29: {  	s4 =	sld [smem:$0x3FA7]  }
0x2a: {  	p0 =	seq.s32 s5, $0x0;
	s5 =	sld [smem:$0x3FA8]  }
0x2b: {  	s6 =	sld [smem:$0x3FA9]  }
0x2c: {  	s7 =	sld [smem:$0x3FAA]  }
0x2d: {  	s3 =	simm.s32 $0x108;
	s8 =	sld [smem:$0x3FAB]  }
0x2e: {  	s3 =	simm.s32 @!p0 $0x1082;
	s9 =	sld [smem:$0x3FAC]  }
0x2f: {  	lr =	sadd.s32 s0, s3;
	s0 =	sld [smem:$0x3FA3]  }
0x30: {  	s3 =	sld [smem:$0x3FA6]  }
0x31: {  	[smem:$0x3FAF] =	sst s10  }
0x32: {  	s10 =	sld [smem:$0x3FAD];
	_ =	sdelay $0x3  }
0x33: {  	p0 =	seq.s32 s10, $0x1;
	s10 =	sld [smem:$0x3FAF];
	_ =	sdelay $0x3  }
0x34: {  	[smem:$0x3FAF] =	sst s10  }
0x35: {  	s10 =	sld [smem:$0x3FAE];
	_ =	sdelay $0x3  }
0x36: {  	p1 =	seq.s32 s10, $0x1;
	s10 =	sld [smem:$0x3FAF];
	_ =	sdelay $0x3  }
0x37: {  	[smem:$0x3FAF] =	sst s10  }
0x38: {  	s10 =	sld [smem:$0x3FB0]  }
0x39: {  	_ = 	snop;
	(pc) =	sbr.ind lr, $3  }
0x3a: {  	_ = 	snop  }
0x3b: {  	_ = 	snop  }
0x3c: {  	p2 =	seq.s32 s10, $0x1;
	s10 =	sld [smem:$0x3FAF]  }
0x3d: {  	_ =	shalt  }
0x3e: {  	_ =	shalt  }
0x3f: {  	_ =	shalt  }
0x40: {  	_ =	shalt  }
0x41: {  	_ =	shalt  }
0x42: {  	_ =	shalt  }
0x43: {  	_ =	shalt  }
0x44: {  	_ =	shalt  }
0x45: {  	_ =	shalt  }
0x46: {  	_ =	shalt  }
0x47: {  	_ =	shalt  }
0x48: {  	_ =	shalt  }
0x49: {  	_ =	shalt  }
0x4a: {  	_ =	shalt  }
0x4b: {  	_ =	shalt  }
0x4c: {  	_ =	shalt  }
0x4d: {  	_ =	shalt  }
0x4e: {  	_ =	shalt  }
0x4f: {  	_ =	shalt  }
0x50: {  	_ =	shalt  }
0x51: {  	_ =	shalt  }
0x52: {  	_ =	shalt  }
0x53: {  	_ =	shalt  }
0x54: {  	_ =	shalt  }
0x55: {  	_ =	shalt  }
0x56: {  	_ =	shalt  }
0x57: {  	_ =	shalt  }
0x58: {  	_ =	shalt  }
0x59: {  	_ =	shalt  }
0x5a: {  	_ =	shalt  }
0x5b: {  	_ =	shalt  }
0x5c: {  	_ =	shalt  }
0x5d: {  	_ =	shalt  }
0x5e: {  	_ =	shalt  }
0x5f: {  	_ =	shalt  }
0x60: {  	_ =	shalt  }
0x61: {  	_ =	shalt  }
0x62: {  	_ =	shalt  }
0x63: {  	_ =	shalt  }
0x64: {  	_ =	shalt  }
0x65: {  	_ =	shalt  }
0x66: {  	_ =	shalt  }
0x67: {  	_ =	shalt  }
0x68: {  	_ =	shalt  }
0x69: {  	_ =	shalt  }
0x6a: {  	_ =	shalt  }
0x6b: {  	_ =	shalt  }
0x6c: {  	_ =	shalt  }
0x6d: {  	_ =	shalt  }
0x6e: {  	_ =	shalt  }
0x6f: {  	_ =	shalt  }
0x70: {  	_ =	shalt  }
0x71: {  	_ =	shalt  }
0x72: {  	_ =	shalt  }
0x73: {  	_ =	shalt  }
0x74: {  	_ =	shalt  }
0x75: {  	_ =	shalt  }
0x76: {  	_ =	shalt  }
0x77: {  	_ =	shalt  }
0x78: {  	_ =	shalt  }
0x79: {  	_ =	shalt  }
0x7a: {  	_ =	shalt  }
0x7b: {  	_ =	shalt  }
0x7c: {  	_ =	shalt  }
0x7d: {  	_ =	shalt  }
0x7e: {  	_ =	shalt  }
0x7f: {  	_ =	shalt  }
0x80: {  	_ =	shalt  }
0x81: {  	_ =	shalt  }
0x82: {  	_ =	shalt  }
0x83: {  	_ =	shalt  }
0x84: {  	_ =	shalt  }
0x85: {  	_ =	shalt  }
0x86: {  	_ =	shalt  }
0x87: {  	_ =	shalt  }
.Lfunc_end0:
.L_simem_size_0:
called_computation.2_lowered:
.L_overlay_start_0:
0x88: {  	s2 =	sld [smem:$0x3FD9]  }
0x89: {  	s3 =	sld [smem:$0x3FFE];
	_ =	sdelay $0x1  }
0x8a: {  	s1 =	srdreg.scid  }
0x8b: {  	s0 =	sand.u32 $0x1, s1  }
0x8c: {  	s16 =	sshll.u32 s0, $0xA;
	s2 =	sadd.s32 s3, s2  }
0x8d: {  	s2 =	sadd.s32 s2, s16  }
0x8e: {  	[smem:$0x3FBB] =	sst s2  }
0x8f: {  	_ = 	snop  }
0x90: {  	(tm) =	ssettm $0x1  }
0x91: {  	s17 =	sld [smem:$0x3FFB];
	_ =	sdelay $0x3  }
0x92: {  	_ =	strace s17  }
0x93: {  	s2 =	sld [smem:$0x3FFC];
	_ =	sdelay $0x3  }
0x94: {  	_ =	strace s2  }
0x95: {  	s2 =	sld [smem:$0x3FFD];
	_ =	sdelay $0x3  }
0x96: {  	_ =	strace s2  }
0x97: {  	_ =	strace $0x8FFFFFFF  }
0x98: {  	s18 =	sld [smem:$0x3FDB];
	_ =	sdelay $0x1  }
0x99: {  	s19 =	simm.s32 $_scs_section_size  }
0x9a: {  	s4 =	simm.s32 $_size__tile_overlayer_lowered;
	s5 =	simm.s32 $_tile_overlayer_lowered  }
0x9b: {  	s22 =	simm.s32 $0x1BFF;
	s21 =	sshll.u32 s5, $0x1;
	s2 =	sadd.s32 s19, s18  }
0x9c: {  	s6 =	simm.s32 $0x0;
	s20 =	sshll.u32 s4, $0x1;
	s4 =	sadd.s32 s21, s2  }
0x9d: {  	[timem:s6], [sflag:s22] =	dma.local [hbm:s4], s20  }
0x9e: {  	_ =	swait.ge [sflag:s22], s20  }
0x9f: {  	s3 =	ssub.s32 $0x0, s20;
	[sflag:s22] =	ssyncset.done $0x0  }
0xa0: {  	[sflag:s22] =	ssyncadd.s32 s3;
	_ =	sdelay $0x1  }
0xa1: {  	s23 =	simm.s32 $0x1B8B  }
0xa2: {  	_ =	swait.ge [sflag:s23], $0x1  }
0xa3: {  	[sflag:s23] =	ssyncset.done $0x0  }
0xa4: {  	s25 =	simm.s32 $0x1B8E;
	s24 =	sld [smem:$0x3FFE];
	[sflag:s23] =	ssyncadd.s32 $0xFFFFFFFF  }
0xa5: {  	s26 =	simm.s32 $execute0_lowered;
	[smem:$0x3FD2] =	sst s25  }
0xa6: {  	s4 =	sshll.u32 s26, $0x1;
	_ =	strace $0x8000004C;
	[dreg:$0x1] =	wrdreg $0xFFFFFFFF  }
0xa7: {  	s28 =	simm.s32 $_size_execute0_lowered;
	s2 =	sadd.s32 s2, s4;
	[dreg:$0x0] =	wrdreg $0x0  }
0xa8: {  	s4 =	sshll.u32 s28, $0x1;
	[dreg:$0x2] =	wrdreg s2  }
0xa9: {  	[dreg:$0x3] =	wrdreg s4  }
0xaa: {  	[dreg:$0x4] =	wrdreg $0xC0  }
0xab: {  	_ =	task [dreg:s6], $0x5FFFF  }
0xac: {  	[dreg:$0x1] =	wrdreg $0xFFFFFFFF  }
0xad: {  	[dreg:$0x0] =	wrdreg $0x60  }
0xae: {  	[dreg:$0x2] =	wrdreg s24  }
0xaf: {  	[dreg:$0x3] =	wrdreg $0xAA000  }
0xb0: {  	[dreg:$0x4] =	wrdreg $0x9  }
0xb1: {  	_ =	task.clear_ibuf [dreg:s6], $0x5FFFF;
	_ =	strace $0x9000004C  }
0xb2: {  	s29 =	simm.s32 $0x9;
	_ =	strace $0x8000004E  }
0xb3: {  	_ =	swait.ge [sflag:s29], $0x1  }
0xb4: {  	[sflag:s29] =	ssyncadd.s32 $0xFFFFFFFF  }
0xb5: {  	_ =	strace $0x9000004E  }
0xb6: {  	_ =	sfence  }
0xb7: {  	s30 =	sld [smem:$0x0];
	_ =	sdelay $0x2  }
0xb8: {  	s31 =	sshll.u32 s1, $0xD;
	s1 =	sshrl.u32 s1, $0x2  }
0xb9: {  	s3 =	sand.u32 $0x4000, s31;
	s1 =	sadd.s32 s1, s30  }
0xba: {  	s0 =	sor.u32 s3, s0;
	s1 =	sshll.u32 s1, $0x11  }
0xbb: {  	s0 =	sor.u32 s1, s0  }
0xbc: {  	s0 =	sadd.s32 $0x8F2B, s0  }
0xbd: {  	[sflag:s0] =	ssyncadd.remote.s32 $0x1  }
0xbe: {  	_ =	sfence.sel $0xFFFF  }
0xbf: {  	[dreg:$0x0] =	wrdreg $0xFFFFFFFF;
	(pc) =	sbr.abs _section_cstart, $3  }
0xc0: {  	[dreg:$0x1] =	wrdreg $0xFFFFFFFF  }
0xc1: {  	_ =	task.clear_ibuf [dreg:s6], $0x2FFFF;
	_ =	strace $0x9FFFFFFF  }
0xc2: {  	(tm) =	ssettm $0x7FFFFFFF  }
0xc3: {  	_ =	shalt  }
tec
execute0_lowered:
.L_overlay_start_1:
0x0: {  	(tag) =	ssettag $0x1  }
0x1: {  	s0 =	srdreg.scid;
	s1 =	rddreg [dreg:$0x0]  }
0x2: {  	s13 =	stileid.u32;
	s2 =	rddreg [dreg:$0x1]  }
0x3: {  	s15 =	simm.s32 $0x7;
	s28 =	simm.s32 $0x3;
	s30 =	simm.s32 $0x4  }
0x4: {  	s29 =	simm.s32 $0x0;
	s0 =	sand.u32 $0x1, s0;
	s3 =	sshll.u32 s13, $0x1  }
0x5: {  	s7 =	smul.u32 $0x14000, s13;
	s5 =	sadd.s32 $0x2B400, s1;
	s6 =	sadd.s32 $0x21400, s1  }
0x6: {  	s12 =	smul.u32 $0x50000, s13;
	s31 =	sshll.u32 s13, $0x6;
	s4 =	sor.u32 s0, s3  }
0x7: {  	s3 =	simm.s32 $0x0;
	s9 =	smul.u32 $0x140000, s0;
	s0 =	ssub.s32 $0x2, s0  }
0x8: {  	s16 =	sor.u32 $0x1C07, s31;
	s4 =	smul.u32 $0x2800, s4;
	[smem:$0x7FF] =	sst s3  }
0x9: {  	s11 =	sshrl.u32 s7, $0x3;
	s20 =	sshrl.u32 s0, $0x1;
	s22 =	sshrl.u32 s12, $0x2  }
0xa: {  	_ =	strace $0x8000004D;
	s7 =	sadd.s32 s7, s9;
	s11 =	sadd.s32 s11, s1  }
0xb: {  	s0 =	ssub.s32 s0, s20;
	s9 =	simm.s32 $0xA800;
	s8 =	sshrl.u32 s4, $0x3  }
0xc: {  	s7 =	sshrl.u32 s7, $0x3;
	s23 =	sadd.s32 $0x52600, s11;
	s0 =	smax.u32 s0, $0x1  }
0xd: {  	s11 =	simm.s32 $0xA900;
	s10 =	sadd.s32 s8, s1;
	s1 =	sadd.s32 s7, s1  }
0xe: {  	s8 =	sadd.s32 s6, s8;
	s7 =	sadd.s32 s22, s2;
	[dreg:$0x4] =	wrdreg s23  }
0xf: {  	[dreg:$0x9] =	wrdreg s0;
	s22 =	simm.s32 $0x80;
	s21 =	sadd.s32 $0x2E00, s10  }
0x10: {  	s23 =	simm.s32 $0x2800;
	s24 =	sadd.s32 $0x10, s8;
	[dreg:$0x3] =	wrdreg s21  }
0x11: {  	s0 =	simm.s32 $0x6;
	s25 =	sadd.s32 $0x20, s8;
	[dreg:$0x5] =	wrdreg s24  }
0x12: {  	s26 =	sadd.s32 $0x30, s8;
	s1 =	sadd.s32 $0x7A600, s1;
	[dreg:$0x6] =	wrdreg s25  }
0x13: {  	s17 =	sshrl.u32 s7, $0x3;
	s10 =	simm.s32 $0xA880;
	[dreg:$0x7] =	wrdreg s26  }
0x14: {  	[dreg:$0x8] =	wrdreg s1;
	s21 =	simm.s32 $0xA980;
	s24 =	simm.s32 $0x6800  }
0x15: {  	s25 =	simm.s32 $0x1;
	s26 =	simm.s32 $0x2;
	s1 =	simm.s32 $0x5  }
.LBB2_1:
0x16: {  	s7 =	rddreg [dreg:$0x3]  }
0x17: {  	[tilespmem:s3], [sflag:$0x7] =	stream.linear.gather [hbm4b:s7+s3], $0x2800, $0x38;
	[tilespmem:$0x1EA00] =	vst v63  }
0x18: {  	_ =	swait.ge [sflag:s15], $0x2800  }
0x19: {  	[sflag:s15] =	ssyncset.done $0x0  }
0x1a: {  	s18 =	rddreg [dreg:$0x4];
	[sflag:s15] =	ssyncadd.s32 $0xFFFFD800  }
0x1b: {  	[spmem:s17], [sflag:s16] =	dma.local [hbm:s18], $0x2800  }
0x1c: {  	_ =	swait.ge [sflag:s15], $0x2800  }
0x1d: {  	[sflag:s15] =	ssyncset.done $0x0  }
0x1e: {  	[sflag:s15] =	ssyncadd.s32 $0xFFFFD800  }
0x1f: {  	[tilespmem:s9], [sflag:$0x3] =	stream.linear.gather [hbm4b:s8+s3], $0x80, $0x38;
	[tilespmem:$0x1EA00] =	vst v63  }
0x20: {  	s19 =	rddreg [dreg:$0x5]  }
0x21: {  	[tilespmem:s10], [sflag:$0x4] =	stream.linear.gather [hbm4b:s19+s3], $0x80, $0x38;
	[tilespmem:$0x1EA00] =	vst v63  }
0x22: {  	s20 =	rddreg [dreg:$0x6]  }
0x23: {  	[tilespmem:s11], [sflag:$0x5] =	stream.linear.gather [hbm4b:s20+s3], $0x80, $0x38;
	[tilespmem:$0x1EA00] =	vst v63  }
0x24: {  	s9 =	rddreg [dreg:$0x7]  }
0x25: {  	[tilespmem:s21], [sflag:$0x6] =	stream.linear.gather [hbm4b:s9+s3], $0x80, $0x38;
	[tilespmem:$0x1EA00] =	vst v63  }
0x26: {  	_ = 	snop  }
0x27: {  	[tilespmem:s23], [sflag:$0x1] =	stream.indirect.gather [hbm4b:s5+s22], $0x80, s3, s22, $0xb8;
	[tilespmem:$0x1EA00] =	vst v63  }
0x28: {  	_ = 	snop  }
0x29: {  	[tilespmem:s24], [sflag:$0x2] =	stream.indirect.gather [hbm4b:s5+s22], $0x80, s22, s22, $0xb8;
	[tilespmem:$0x1EA00] =	vst v63  }
0x2a: {  	[bflag:$0x0] =	sbarrier.arrive $0xFFFF  }
0x2b: {  	_ =	swait.ge [sflag:s25], $0x4000  }
0x2c: {  	s10 =	sand.u32 $0x2, s3;
	[sflag:s25] =	ssyncset.done $0x0  }
0x2d: {  	s31 =	simm.s32 $0x200;
	s11 =	sadd.s32 $0x3, s10;
	[sflag:s25] =	ssyncadd.s32 $0xFFFFC000  }
0x2e: {  	s12 =	sand.u32 $0x7C00, s31;
	_ =	swait.ge [sflag:s11], $0x80  }
0x2f: {  	s31 =	sand.u32 $0x300, s31;
	s13 =	sshll.u32 s10, $0x7;
	[sflag:s11] =	ssyncset.done $0x0  }
0x30: {  	s12 =	sadd.s32 s4, s12;
	s14 =	sor.u32 $0xA800, s13;
	[sflag:s11] =	ssyncadd.s32 $0xFFFFFF80  }
0x31: {  	[spmem:s2] =	stream.indirect.scatter.add.f32 [tilespmem:s23], [sflag:$0x7], $0x80, s14, s22, $0xb8;
	[tilespmem:$0x1EA00] =	vst v63  }
0x32: {  	s12 =	sor.u32 s31, s12;
	_ =	swait.ge [sflag:s15], $0x4000  }
0x33: {  	s12 =	sshrl.u32 s12, $0x3;
	[sflag:s15] =	ssyncset.done $0x0  }
0x34: {  	s12 =	sadd.s32 s6, s12;
	[sflag:s15] =	ssyncadd.s32 $0xFFFFC000  }
0x35: {  	[tilespmem:s14], [sflag:s11] =	stream.linear.gather [hbm4b:s12+s3], $0x80, $0x38;
	[tilespmem:$0x1EA00] =	vst v63  }
0x36: {  	s18 =	simm.s32 $0x100  }
0x37: {  	[tilespmem:s23], [sflag:$0x1] =	stream.indirect.gather [hbm4b:s5+s22], $0x80, s18, s22, $0xb8;
	[tilespmem:$0x1EA00] =	vst v63  }
0x38: {  	_ =	swait.ge [sflag:s26], $0x4000  }
0x39: {  	[sflag:s26] =	ssyncset.done $0x0  }
0x3a: {  	s7 =	sor.u32 $0x4, s10;
	[sflag:s26] =	ssyncadd.s32 $0xFFFFC000  }
0x3b: {  	s19 =	simm.s32 $0x280;
	_ =	swait.ge [sflag:s7], $0x80  }
0x3c: {  	s10 =	sor.u32 $0xA880, s13;
	s20 =	sand.u32 $0x7C00, s19;
	[sflag:s7] =	ssyncset.done $0x0  }
0x3d: {  	s9 =	sand.u32 $0x380, s19;
	s11 =	sadd.s32 s4, s20;
	[sflag:s7] =	ssyncadd.s32 $0xFFFFFF80  }
0x3e: {  	[spmem:s2] =	stream.indirect.scatter.add.f32 [tilespmem:s24], [sflag:$0x7], $0x80, s10, s22, $0xb8;
	[tilespmem:$0x1EA00] =	vst v63  }
0x3f: {  	s9 =	sor.u32 s9, s11;
	_ =	swait.ge [sflag:s15], $0x4000  }
0x40: {  	s9 =	sshrl.u32 s9, $0x3;
	[sflag:s15] =	ssyncset.done $0x0  }
0x41: {  	s31 =	simm.s32 $0x180;
	s9 =	sadd.s32 s6, s9;
	[sflag:s15] =	ssyncadd.s32 $0xFFFFC000  }
0x42: {  	[tilespmem:s10], [sflag:s7] =	stream.linear.gather [hbm4b:s9+s3], $0x80, $0x38;
	[tilespmem:$0x1EA00] =	vst v63  }
0x43: {  	s7 =	simm.s32 $0x380;
	s9 =	simm.s32 $0x0;
	s10 =	simm.s32 $0x180  }
.LBB2_2:
0x44: {  	p0 =	sne.s32 s7, $0x2780  }
0x45: {  	s9 =	sadd.s32 $0x2, s9;
	s31 =	sadd.s32 $0x100, s31;
	s11 =	smov.u32 s7  }
0x46: {  	[tilespmem:s24], [sflag:$0x2] =	stream.indirect.gather [hbm4b:s5+s22], $0x80, s10, s22, $0xb8;
	[tilespmem:$0x1EA00] =	vst v63  }
0x47: {  	s7 =	sadd.s32 $0x100, s7;
	s10 =	smov.u32 s31;
	_ =	swait.ge [sflag:s25], $0x4000  }
0x48: {  	s12 =	sand.u32 $0x2, s9;
	[sflag:s25] =	ssyncset.done $0x0  }
0x49: {  	s13 =	sadd.s32 $0x3, s12;
	s14 =	sshll.u32 s12, $0x7;
	[sflag:s25] =	ssyncadd.s32 $0xFFFFC000  }
0x4a: {  	_ =	swait.ge [sflag:s13], $0x80  }
0x4b: {  	s18 =	sadd.s32 $0xFFFFFF80, s11;
	[sflag:s13] =	ssyncset.done $0x0  }
0x4c: {  	s20 =	sand.u32 $0x7C00, s18;
	s19 =	sor.u32 $0xA800, s14;
	[sflag:s13] =	ssyncadd.s32 $0xFFFFFF80  }
0x4d: {  	[spmem:s2] =	stream.indirect.scatter.add.f32 [tilespmem:s23], [sflag:$0x7], $0x80, s19, s22, $0xb8;
	[tilespmem:$0x1EA00] =	vst v63  }
0x4e: {  	s18 =	sand.u32 $0x300, s18;
	s20 =	sadd.s32 s4, s20;
	_ =	swait.ge [sflag:s15], $0x4000  }
0x4f: {  	s18 =	sor.u32 s18, s20;
	[sflag:s15] =	ssyncset.done $0x0  }
0x50: {  	s18 =	sshrl.u32 s18, $0x3;
	[sflag:s15] =	ssyncadd.s32 $0xFFFFC000  }
0x51: {  	s20 =	sadd.s32 $0xFFFFFF80, s31;
	s18 =	sadd.s32 s6, s18  }
0x52: {  	[tilespmem:s19], [sflag:s13] =	stream.linear.gather [hbm4b:s18+s3], $0x80, $0x38;
	[tilespmem:$0x1EA00] =	vst v63  }
0x53: {  	_ = 	snop  }
0x54: {  	[tilespmem:s23], [sflag:$0x1] =	stream.indirect.gather [hbm4b:s5+s22], $0x80, s20, s22, $0xb8;
	[tilespmem:$0x1EA00] =	vst v63  }
0x55: {  	_ =	swait.ge [sflag:s26], $0x4000  }
0x56: {  	s12 =	sor.u32 $0x4, s12;
	[sflag:s26] =	ssyncset.done $0x0  }
0x57: {  	[sflag:s26] =	ssyncadd.s32 $0xFFFFC000  }
0x58: {  	_ =	swait.ge [sflag:s12], $0x80  }
0x59: {  	s13 =	sor.u32 $0xA880, s14;
	s14 =	sand.u32 $0x7C00, s11;
	[sflag:s12] =	ssyncset.done $0x0  }
0x5a: {  	s11 =	sand.u32 $0x380, s11;
	s14 =	sadd.s32 s4, s14;
	[sflag:s12] =	ssyncadd.s32 $0xFFFFFF80  }
0x5b: {  	[spmem:s2] =	stream.indirect.scatter.add.f32 [tilespmem:s24], [sflag:$0x7], $0x80, s13, s22, $0xb8;
	[tilespmem:$0x1EA00] =	vst v63  }
.Ltmp0:
0x5c: {  	_ = 	snop;
	(pc) =	sbr.rel @p0 .LBB2_2-.Ltmp0, $4  }
0x5d: {  	s11 =	sor.u32 s11, s14;
	_ =	swait.ge [sflag:s15], $0x4000  }
0x5e: {  	s11 =	sshrl.u32 s11, $0x3;
	[sflag:s15] =	ssyncset.done $0x0  }
0x5f: {  	s11 =	sadd.s32 s6, s11;
	[sflag:s15] =	ssyncadd.s32 $0xFFFFC000  }
0x60: {  	[tilespmem:s13], [sflag:s12] =	stream.linear.gather [hbm4b:s11+s3], $0x80, $0x38;
	[tilespmem:$0x1EA00] =	vst v63  }
0x61: {  	[tilespmem:s24], [sflag:$0x2] =	stream.indirect.gather [hbm4b:s5+s22], $0x80, s10, s22, $0xb8;
	[tilespmem:$0x1EA00] =	vst v63  }
0x62: {  	_ =	swait.ge [sflag:s25], $0x4000  }
0x63: {  	[sflag:s25] =	ssyncset.done $0x0  }
0x64: {  	[sflag:s25] =	ssyncadd.s32 $0xFFFFC000  }
0x65: {  	_ =	swait.ge [sflag:s28], $0x80  }
0x66: {  	[sflag:s28] =	ssyncset.done $0x0  }
0x67: {  	s9 =	simm.s32 $0xA800;
	[sflag:s28] =	ssyncadd.s32 $0xFFFFFF80  }
0x68: {  	[spmem:s2] =	stream.indirect.scatter.add.f32 [tilespmem:s23], [sflag:$0x7], $0x80, s9, s22, $0xb8;
	[tilespmem:$0x1EA00] =	vst v63  }
0x69: {  	_ =	swait.ge [sflag:s15], $0x4000  }
0x6a: {  	[sflag:s15] =	ssyncset.done $0x0  }
0x6b: {  	s7 =	simm.s32 $0x2700;
	[sflag:s15] =	ssyncadd.s32 $0xFFFFC000  }
0x6c: {  	[tilespmem:s23], [sflag:$0x1] =	stream.indirect.gather [hbm4b:s5+s22], $0x80, s7, s22, $0xb8;
	[tilespmem:$0x1EA00] =	vst v63  }
0x6d: {  	_ =	swait.ge [sflag:s26], $0x4000  }
0x6e: {  	[sflag:s26] =	ssyncset.done $0x0  }
0x6f: {  	[sflag:s26] =	ssyncadd.s32 $0xFFFFC000  }
0x70: {  	_ =	swait.ge [sflag:s30], $0x80  }
0x71: {  	[sflag:s30] =	ssyncset.done $0x0  }
0x72: {  	s10 =	simm.s32 $0xA880;
	[sflag:s30] =	ssyncadd.s32 $0xFFFFFF80  }
0x73: {  	[spmem:s2] =	stream.indirect.scatter.add.f32 [tilespmem:s24], [sflag:$0x7], $0x80, s10, s22, $0xb8;
	[tilespmem:$0x1EA00] =	vst v63  }
0x74: {  	_ =	swait.ge [sflag:s15], $0x4000  }
0x75: {  	[sflag:s15] =	ssyncset.done $0x0  }
0x76: {  	s19 =	simm.s32 $0x2780;
	[sflag:s15] =	ssyncadd.s32 $0xFFFFC000  }
0x77: {  	[tilespmem:s24], [sflag:$0x2] =	stream.indirect.gather [hbm4b:s5+s22], $0x80, s19, s22, $0xb8;
	[tilespmem:$0x1EA00] =	vst v63  }
0x78: {  	_ =	swait.ge [sflag:s25], $0x4000  }
0x79: {  	[sflag:s25] =	ssyncset.done $0x0  }
0x7a: {  	[sflag:s25] =	ssyncadd.s32 $0xFFFFC000  }
0x7b: {  	_ =	swait.ge [sflag:s1], $0x80  }
0x7c: {  	[sflag:s1] =	ssyncset.done $0x0  }
0x7d: {  	s11 =	simm.s32 $0xA900;
	[sflag:s1] =	ssyncadd.s32 $0xFFFFFF80  }
0x7e: {  	[spmem:s2] =	stream.indirect.scatter.add.f32 [tilespmem:s23], [sflag:$0x7], $0x80, s11, s22, $0xb8;
	[tilespmem:$0x1EA00] =	vst v63  }
0x7f: {  	_ =	swait.ge [sflag:s15], $0x4000  }
0x80: {  	[sflag:s15] =	ssyncset.done $0x0  }
0x81: {  	[sflag:s15] =	ssyncadd.s32 $0xFFFFC000  }
0x82: {  	_ =	swait.ge [sflag:s26], $0x4000  }
0x83: {  	[sflag:s26] =	ssyncset.done $0x0  }
0x84: {  	[sflag:s26] =	ssyncadd.s32 $0xFFFFC000  }
0x85: {  	_ =	swait.ge [sflag:s0], $0x80  }
0x86: {  	[sflag:s0] =	ssyncset.done $0x0  }
0x87: {  	[sflag:s0] =	ssyncadd.s32 $0xFFFFFF80  }
0x88: {  	[spmem:s2] =	stream.indirect.scatter.add.f32 [tilespmem:s24], [sflag:$0x7], $0x80, s21, s22, $0xb8;
	[tilespmem:$0x1EA00] =	vst v63  }
0x89: {  	_ =	swait.ge [sflag:s15], $0x4000  }
0x8a: {  	[sflag:s15] =	ssyncset.done $0x0  }
0x8b: {  	[sflag:s15] =	ssyncadd.s32 $0xFFFFC000  }
0x8c: {  	[bflag:$0x0] =	sbarrier.arrive $0xFFFF  }
0x8d: {  	s20 =	rddreg [dreg:$0x8]  }
0x8e: {  	[hbm:s20], [sflag:s16] =	dma.local [spmem:s17], $0x2800  }
0x8f: {  	_ =	swait.ge [sflag:s15], $0x2800  }
0x90: {  	s29 =	sadd.s32 $0x1, s29;
	s31 =	rddreg [dreg:$0x9]  }
0x91: {  	p0 =	sne.s32 s29, s31  }
.Ltmp1:
0x92: {  	_ = 	snop;
	(pc) =	sbr.rel @p0 .LBB2_1-.Ltmp1, $3  }
0x93: {  	_ =	sdelay $0x1  }
0x94: {  	[sflag:s15] =	ssyncset.done $0x0  }
0x95: {  	[sflag:s15] =	ssyncadd.s32 $0xFFFFD800  }
0x96: {  	_ =	sfence.sel $0x180000  }
0x97: {  	[bflag:$0x0] =	sbarrier.arrive $0xFFFF  }
0x98: {  	_ =	strace $0x9000004D  }
0x99: {  	s0 =	stileid.u32;
	[bflag:$0x2] =	sbarrier.arrive $0xFFFF  }
0x9a: {  	p0 =	sne.s32 s0, $0x0;
	s0 =	rddreg [dreg:$0x2]  }
0x9b: {  	s0 =	sadd.s32 @!p0 $0x100000, s0  }
0x9c: {  	[sflag:s0] =	ssyncadd.tile.s32 @!p0 $0x1;
	_ =	shalt  }
.Lfunc_end2:
_tile_overlayer_lowered:
.L_overlay_start_2:
0x9d: {  	(tag) =	ssettag $0x2  }
0x9e: {  	s0 =	rddreg [dreg:$0x0];
	s2 =	stileid.u32  }
0x9f: {  	s1 =	rddreg [dreg:$0x1];
	p0 =	sne.s32 s2, $0x0  }
0xa0: {  	s3 =	rddreg [dreg:$0x2];
	[bflag:$0x3] =	sbarrier.arrive $0xFFFF;
	s2 =	simm.s32 @!p0 $0x1C07  }
0xa1: {  	[timem:s3], [sflag:s2] =	dma.local @!p0 [hbm:s0], s1  }
0xa2: {  	s0 =	simm.s32 @!p0 $0x7  }
0xa3: {  	_ =	swait.ge @!p0 [sflag:s0], s1  }
0xa4: {  	s1 =	ssub.s32 @!p0 $0x0, s1;
	[sflag:s0] =	ssyncset.done @!p0 $0x0  }
0xa5: {  	[sflag:s0] =	ssyncadd.s32 @!p0 s1  }
0xa6: {  	[bflag:$0x3] =	sbarrier.arrive $0xFFFF  }
0xa7: {  	_ =	shalt  }

// kernel: kernel.8.cloned.1.call-start
scs
__scs_entry_jumppad:
0x0: {  	(pc) =	sbr.rel $0x88, $3  }
0x1: {  	(tag) =	ssettag $0x0;
	lr =	simm.s32 $0x1  }
0x2: {  	[smem:$0x3F94] =	sst lr;
	_ =	strace $0xD0000000  }
0x3: {  	_ = 	snop  }
0x4: {  	_ = 	snop  }
0x5: {  	_ = 	snop  }
0x6: {  	_ = 	snop  }
0x7: {  	_ = 	snop  }
__scs_overlays_trampoline_lowered:
0x8: {  	[smem:$0x3FA3] =	sst s0  }
0x9: {  	[smem:$0x3FA4] =	sst s1  }
0xa: {  	[smem:$0x3FA5] =	sst s2  }
0xb: {  	[smem:$0x3FA6] =	sst s3  }
0xc: {  	[smem:$0x3FA7] =	sst s4  }
0xd: {  	[smem:$0x3FA8] =	sst s5  }
0xe: {  	[smem:$0x3FA9] =	sst s6  }
0xf: {  	[smem:$0x3FAA] =	sst s7  }
0x10: {  	[smem:$0x3FAB] =	sst s8  }
0x11: {  	[smem:$0x3FAC] =	sst s9;
	s0 =	simm.s32 @!p0 $0x0  }
0x12: {  	s1 =	sld [smem:$0x3F92];
	s0 =	simm.s32 @p0 $0x1  }
0x13: {  	[smem:$0x3FAD] =	sst s0;
	s0 =	simm.s32 @!p1 $0x0  }
0x14: {  	s2 =	sld [smem:$0x3F91];
	s0 =	simm.s32 @p1 $0x1  }
0x15: {  	[smem:$0x3FAE] =	sst s0;
	s0 =	simm.s32 @!p2 $0x0  }
0x16: {  	s3 =	sld [smem:$0x3FDB];
	s0 =	simm.s32 @p2 $0x1  }
0x17: {  	s4 =	simm.s32 $0x1BF5;
	[smem:$0x3FB0] =	sst s0  }
0x18: {  	s0 =	sld [smem:$0x3F93];
	_ =	swait.ge [sflag:s4], $0x0  }
0x19: {  	s7 =	sld [smem:$0x3F94]  }
0x1a: {  	s8 =	sadd.s32 $0xFFFFE003, lr  }
0x1b: {  	s9 =	sadd.s32 $0xFFFFFEF7, lr;
	s5 =	simm.s32 $0xFFFFFFFF;
	p2 =	slt.u32 s8, $0xFFFFF086  }
0x1c: {  	p1 =	slt.u32 s9, $0xF7A;
	s5 =	simm.s32 @!p2 $0x0  }
0x1d: {  	s5 =	simm.s32 @p1 $0x1;
	p0 =	seq.s32 s7, s2  }
0x1e: {  	s7 =	smul.u32 @!p0 $0xF7A, s2;
	p2 =	seq.s32 @!p0 s5, $0x0  }
0x1f: {  	s9 =	smul.u32 $0xF7A, s1;
	s8 =	simm.s32 @!p0 $0x1BF5;
	p2 =	por !p2, p0  }
0x20: {  	[sflag:s8] =	ssyncset.s32 @!p0 $0xFFFFF086;
	s6 =	sadd.s32 @!p0 s3, s7;
	s7 =	simm.s32 @!p0 $0x108  }
0x21: {  	s3 =	sadd.s32 s3, s9;
	s6 =	sadd.s32 @!p0 $0x88, s6;
	s7 =	simm.s32 @p2 $0x1082  }
0x22: {  	[simem:s7], [sflag:s8] =	dma.local @!p0 [hbm:s6], $0xF7A  }
0x23: {  	s9 =	sor.u32 $0xD0000000, s2;
	s6 =	simm.s32 $0x108;
	_ =	swait.ge @!p0 [sflag:s8], $0x0  }
0x24: {  	s3 =	sadd.s32 $0x88, s3;
	s6 =	simm.s32 @!p1 $0x1082;
	[sflag:s4] =	ssyncset.s32 $0xFFFFF086  }
0x25: {  	[simem:s6], [sflag:s4] =	dma.local [hbm:s3], $0xF7A  }
0x26: {  	[smem:$0x3F94] =	sst s1;
	(tag) =	ssettag s2;
	_ =	strace s9  }
0x27: {  	s1 =	sld [smem:$0x3FA4]  }
0x28: {  	s2 =	sld [smem:$0x3FA5]  }
0x29: {  	s4 =	sld [smem:$0x3FA7]  }
0x2a: {  	p0 =	seq.s32 s5, $0x0;
	s5 =	sld [smem:$0x3FA8]  }
0x2b: {  	s6 =	sld [smem:$0x3FA9]  }
0x2c: {  	s7 =	sld [smem:$0x3FAA]  }
0x2d: {  	s3 =	simm.s32 $0x108;
	s8 =	sld [smem:$0x3FAB]  }
0x2e: {  	s3 =	simm.s32 @!p0 $0x1082;
	s9 =	sld [smem:$0x3FAC]  }
0x2f: {  	lr =	sadd.s32 s0, s3;
	s0 =	sld [smem:$0x3FA3]  }
0x30: {  	s3 =	sld [smem:$0x3FA6]  }
0x31: {  	[smem:$0x3FAF] =	sst s10  }
0x32: {  	s10 =	sld [smem:$0x3FAD];
	_ =	sdelay $0x3  }
0x33: {  	p0 =	seq.s32 s10, $0x1;
	s10 =	sld [smem:$0x3FAF];
	_ =	sdelay $0x3  }
0x34: {  	[smem:$0x3FAF] =	sst s10  }
0x35: {  	s10 =	sld [smem:$0x3FAE];
	_ =	sdelay $0x3  }
0x36: {  	p1 =	seq.s32 s10, $0x1;
	s10 =	sld [smem:$0x3FAF];
	_ =	sdelay $0x3  }
0x37: {  	[smem:$0x3FAF] =	sst s10  }
0x38: {  	s10 =	sld [smem:$0x3FB0]  }
0x39: {  	_ = 	snop;
	(pc) =	sbr.ind lr, $3  }
0x3a: {  	_ = 	snop  }
0x3b: {  	_ = 	snop  }
0x3c: {  	p2 =	seq.s32 s10, $0x1;
	s10 =	sld [smem:$0x3FAF]  }
0x3d: {  	_ =	shalt  }
0x3e: {  	_ =	shalt  }
0x3f: {  	_ =	shalt  }
0x40: {  	_ =	shalt  }
0x41: {  	_ =	shalt  }
0x42: {  	_ =	shalt  }
0x43: {  	_ =	shalt  }
0x44: {  	_ =	shalt  }
0x45: {  	_ =	shalt  }
0x46: {  	_ =	shalt  }
0x47: {  	_ =	shalt  }
0x48: {  	_ =	shalt  }
0x49: {  	_ =	shalt  }
0x4a: {  	_ =	shalt  }
0x4b: {  	_ =	shalt  }
0x4c: {  	_ =	shalt  }
0x4d: {  	_ =	shalt  }
0x4e: {  	_ =	shalt  }
0x4f: {  	_ =	shalt  }
0x50: {  	_ =	shalt  }
0x51: {  	_ =	shalt  }
0x52: {  	_ =	shalt  }
0x53: {  	_ =	shalt  }
0x54: {  	_ =	shalt  }
0x55: {  	_ =	shalt  }
0x56: {  	_ =	shalt  }
0x57: {  	_ =	shalt  }
0x58: {  	_ =	shalt  }
0x59: {  	_ =	shalt  }
0x5a: {  	_ =	shalt  }
0x5b: {  	_ =	shalt  }
0x5c: {  	_ =	shalt  }
0x5d: {  	_ =	shalt  }
0x5e: {  	_ =	shalt  }
0x5f: {  	_ =	shalt  }
0x60: {  	_ =	shalt  }
0x61: {  	_ =	shalt  }
0x62: {  	_ =	shalt  }
0x63: {  	_ =	shalt  }
0x64: {  	_ =	shalt  }
0x65: {  	_ =	shalt  }
0x66: {  	_ =	shalt  }
0x67: {  	_ =	shalt  }
0x68: {  	_ =	shalt  }
0x69: {  	_ =	shalt  }
0x6a: {  	_ =	shalt  }
0x6b: {  	_ =	shalt  }
0x6c: {  	_ =	shalt  }
0x6d: {  	_ =	shalt  }
0x6e: {  	_ =	shalt  }
0x6f: {  	_ =	shalt  }
0x70: {  	_ =	shalt  }
0x71: {  	_ =	shalt  }
0x72: {  	_ =	shalt  }
0x73: {  	_ =	shalt  }
0x74: {  	_ =	shalt  }
0x75: {  	_ =	shalt  }
0x76: {  	_ =	shalt  }
0x77: {  	_ =	shalt  }
0x78: {  	_ =	shalt  }
0x79: {  	_ =	shalt  }
0x7a: {  	_ =	shalt  }
0x7b: {  	_ =	shalt  }
0x7c: {  	_ =	shalt  }
0x7d: {  	_ =	shalt  }
0x7e: {  	_ =	shalt  }
0x7f: {  	_ =	shalt  }
0x80: {  	_ =	shalt  }
0x81: {  	_ =	shalt  }
0x82: {  	_ =	shalt  }
0x83: {  	_ =	shalt  }
0x84: {  	_ =	shalt  }
0x85: {  	_ =	shalt  }
0x86: {  	_ =	shalt  }
0x87: {  	_ =	shalt  }
.Lfunc_end0:
.L_simem_size_0:
called_computation_lowered:
.L_overlay_start_0:
0x88: {  	s2 =	sld [smem:$0x3FD9]  }
0x89: {  	s3 =	sld [smem:$0x3FFE];
	_ =	sdelay $0x1  }
0x8a: {  	s1 =	srdreg.scid  }
0x8b: {  	s0 =	sand.u32 $0x1, s1  }
0x8c: {  	s16 =	sshll.u32 s0, $0xA;
	s2 =	sadd.s32 s3, s2  }
0x8d: {  	s2 =	sadd.s32 s2, s16  }
0x8e: {  	[smem:$0x3FBB] =	sst s2  }
0x8f: {  	_ = 	snop  }
0x90: {  	(tm) =	ssettm $0x1  }
0x91: {  	s17 =	sld [smem:$0x3FFB];
	_ =	sdelay $0x3  }
0x92: {  	_ =	strace s17  }
0x93: {  	s2 =	sld [smem:$0x3FFC];
	_ =	sdelay $0x3  }
0x94: {  	_ =	strace s2  }
0x95: {  	s2 =	sld [smem:$0x3FFD];
	_ =	sdelay $0x3  }
0x96: {  	_ =	strace s2  }
0x97: {  	_ =	strace $0x8FFFFFFF  }
0x98: {  	s18 =	sld [smem:$0x3FDB];
	_ =	sdelay $0x1  }
0x99: {  	s19 =	simm.s32 $_scs_section_size  }
0x9a: {  	s4 =	simm.s32 $_size__tile_overlayer_lowered;
	s5 =	simm.s32 $_tile_overlayer_lowered  }
0x9b: {  	s22 =	simm.s32 $0x1BFF;
	s21 =	sshll.u32 s5, $0x1;
	s2 =	sadd.s32 s19, s18  }
0x9c: {  	s6 =	simm.s32 $0x0;
	s20 =	sshll.u32 s4, $0x1;
	s4 =	sadd.s32 s21, s2  }
0x9d: {  	[timem:s6], [sflag:s22] =	dma.local [hbm:s4], s20  }
0x9e: {  	_ =	swait.ge [sflag:s22], s20  }
0x9f: {  	s3 =	ssub.s32 $0x0, s20;
	[sflag:s22] =	ssyncset.done $0x0  }
0xa0: {  	[sflag:s22] =	ssyncadd.s32 s3;
	_ =	sdelay $0x1  }
0xa1: {  	s23 =	simm.s32 $0x1B8B  }
0xa2: {  	_ =	swait.ge [sflag:s23], $0x1  }
0xa3: {  	[sflag:s23] =	ssyncset.done $0x0  }
0xa4: {  	s25 =	simm.s32 $0x1B8E;
	s24 =	sld [smem:$0x3FFE];
	[sflag:s23] =	ssyncadd.s32 $0xFFFFFFFF  }
0xa5: {  	s26 =	simm.s32 $execute0_lowered;
	[smem:$0x3FD2] =	sst s25  }
0xa6: {  	s4 =	sshll.u32 s26, $0x1;
	_ =	strace $0x80000046;
	[dreg:$0x1] =	wrdreg $0xFFFFFFFF  }
0xa7: {  	s28 =	simm.s32 $_size_execute0_lowered;
	s2 =	sadd.s32 s2, s4;
	[dreg:$0x0] =	wrdreg $0x0  }
0xa8: {  	s4 =	sshll.u32 s28, $0x1;
	[dreg:$0x2] =	wrdreg s2  }
0xa9: {  	[dreg:$0x3] =	wrdreg s4  }
0xaa: {  	[dreg:$0x4] =	wrdreg $0xC0  }
0xab: {  	_ =	task [dreg:s6], $0x5FFFF  }
0xac: {  	[dreg:$0x1] =	wrdreg $0xFFFFFFFF  }
0xad: {  	[dreg:$0x0] =	wrdreg $0x60  }
0xae: {  	[dreg:$0x2] =	wrdreg s24  }
0xaf: {  	[dreg:$0x3] =	wrdreg $0x9  }
0xb0: {  	_ =	task.clear_ibuf [dreg:s6], $0x4FFFF;
	_ =	strace $0x90000046  }
0xb1: {  	s29 =	simm.s32 $0x9;
	_ =	strace $0x80000048  }
0xb2: {  	_ =	swait.ge [sflag:s29], $0x1  }
0xb3: {  	[sflag:s29] =	ssyncadd.s32 $0xFFFFFFFF  }
0xb4: {  	_ =	strace $0x90000048  }
0xb5: {  	_ =	sfence  }
0xb6: {  	s30 =	sld [smem:$0x0];
	_ =	sdelay $0x2  }
0xb7: {  	s31 =	sshll.u32 s1, $0xD;
	s1 =	sshrl.u32 s1, $0x2  }
0xb8: {  	s3 =	sand.u32 $0x4000, s31;
	s1 =	sadd.s32 s1, s30  }
0xb9: {  	s0 =	sor.u32 s3, s0;
	s1 =	sshll.u32 s1, $0x11  }
0xba: {  	s0 =	sor.u32 s1, s0  }
0xbb: {  	s0 =	sadd.s32 $0x8F2B, s0  }
0xbc: {  	[sflag:s0] =	ssyncadd.remote.s32 $0x1  }
0xbd: {  	_ =	sfence.sel $0xFFFF  }
0xbe: {  	[dreg:$0x0] =	wrdreg $0xFFFFFFFF;
	(pc) =	sbr.abs _section_cstart, $3  }
0xbf: {  	[dreg:$0x1] =	wrdreg $0xFFFFFFFF  }
0xc0: {  	_ =	task.clear_ibuf [dreg:s6], $0x2FFFF;
	_ =	strace $0x9FFFFFFF  }
0xc1: {  	(tm) =	ssettm $0x7FFFFFFF  }
tec
execute0_lowered:
.L_overlay_start_1:
0x0: {  	(tag) =	ssettag $0x1  }
0x1: {  	s4 =	rddreg [dreg:$0x0];
	s2 =	srdreg.scid  }
0x2: {  	s1 =	stileid.u32;
	s0 =	rddreg [dreg:$0x1];
	s10 =	simm.s32 $0x2800  }
0x3: {  	s11 =	simm.s32 $0x7800;
	s12 =	simm.s32 $0x80;
	s13 =	simm.s32 $0x400  }
0x4: {  	s14 =	simm.s32 $0x5000;
	s15 =	simm.s32 $0x0;
	s3 =	sand.u32 $0x1, s2  }
0x5: {  	s5 =	sshll.u32 s1, $0x1;
	s2 =	simm.s32 $0x0;
	s6 =	sshrl.u32 s1, $0x2  }
0x6: {  	s5 =	sor.u32 s3, s5;
	[smem:$0x7FF] =	sst s2;
	s6 =	smul.u32 $0x14000, s6  }
0x7: {  	s31 =	ssub.s32 $0x2, s3;
	s3 =	sadd.s32 $0x16E00, s4;
	s7 =	sshll.u32 s5, $0x7  }
0x8: {  	s5 =	smul.u32 $0x500, s5;
	s8 =	sshrl.u32 s31, $0x1;
	s7 =	sand.u32 $0x380, s7  }
0x9: {  	_ =	strace $0x80000047;
	s8 =	ssub.s32 s31, s8;
	s6 =	sor.u32 s6, s7  }
0xa: {  	s9 =	sadd.s32 s5, s4;
	s8 =	smax.u32 s8, $0x1;
	s6 =	sshrl.u32 s6, $0x3  }
0xb: {  	s5 =	sadd.s32 $0xCE00, s9;
	s7 =	sadd.s32 $0x21400, s9;
	s6 =	sadd.s32 s6, s4  }
0xc: {  	v0 =	vimm.f32 $1.000000000e+00;
	s4 =	sadd.s32 $0x2E00, s9;
	s9 =	simm.s32 $0x1;
	s6 =	sadd.s32 $0x17400, s6  }
.LBB2_1:
0xd: {  	[tilespmem:s2], [sflag:$0x1] =	stream.linear.gather [hbm4b:s4+s2], $0x2800, $0x38;
	[tilespmem:$0xA000] =	vst v63  }
0xe: {  	_ =	swait.ge [sflag:s9], $0x2800  }
0xf: {  	[sflag:s9] =	ssyncset.done $0x0  }
0x10: {  	[sflag:s9] =	ssyncadd.s32 $0xFFFFD800  }
0x11: {  	[tilespmem:s10], [sflag:$0x1] =	stream.linear.gather [hbm4b:s5+s2], $0x2800, $0x38;
	[tilespmem:$0xA000] =	vst v63  }
0x12: {  	_ =	swait.ge [sflag:s9], $0x2800  }
0x13: {  	[sflag:s9] =	ssyncset.done $0x0  }
0x14: {  	[sflag:s9] =	ssyncadd.s32 $0xFFFFD800  }
0x15: {  	[tilespmem:s11], [sflag:$0x1] =	stream.linear.gather [hbm4b:s3+s2], $0x2800, $0x38;
	[tilespmem:$0xA000] =	vst v63  }
0x16: {  	_ =	swait.ge [sflag:s9], $0x2800  }
0x17: {  	[sflag:s9] =	ssyncset.done $0x0  }
0x18: {  	s16 =	simm.s32 $0x0;
	[sflag:s9] =	ssyncadd.s32 $0xFFFFD800  }
.LBB2_2:
0x19: {  	s17 =	sshra.s32 s16, $0x2  }
0x1a: {  	v1 =	vld [tilespmem:s17+$0x0]  }
0x1b: {  	v2 =	vld [tilespmem:s17+$0x2800];
	_ =	sdelay $0x4  }
0x1c: {  	vm0 =	veq.s32 v1, v2;
	vm1 =	vgt.s32 v2, $0x270F  }
0x1d: {  	vm0 =	vmor vm0, vm1  }
0x1e: {  	v1 =	vsel vm0, $0x2710, v1;
	_ =	sdelay $0x2  }
0x1f: {  	v2 =	vsel vm0, $0x2710, v2  }
0x20: {  	[tilespmem:s17+$0x5000] =	vst v2  }
0x21: {  	[tilespmem:v1+s11+$0x0] =	vst.idx.add.f32.msk $0xffff, v0  }
0x22: {  	v1 =	vld [tilespmem:s17+$0x10]  }
0x23: {  	v2 =	vld [tilespmem:s17+$0x2810];
	_ =	sdelay $0x4  }
0x24: {  	vm14 =	veq.s32 v1, v2;
	vm15 =	vgt.s32 v2, $0x270F  }
0x25: {  	vm0 =	vmor vm14, vm15  }
0x26: {  	v1 =	vsel vm0, $0x2710, v1;
	_ =	sdelay $0x2  }
0x27: {  	v2 =	vsel vm0, $0x2710, v2  }
0x28: {  	[tilespmem:s17+$0x5010] =	vst v2  }
0x29: {  	[tilespmem:v1+s11+$0x0] =	vst.idx.add.f32.msk $0xffff, v0  }
0x2a: {  	v1 =	vld [tilespmem:s17+$0x20]  }
0x2b: {  	v2 =	vld [tilespmem:s17+$0x2820];
	_ =	sdelay $0x4  }
0x2c: {  	vm4 =	veq.s32 v1, v2;
	vm5 =	vgt.s32 v2, $0x270F  }
0x2d: {  	vm0 =	vmor vm4, vm5  }
0x2e: {  	v1 =	vsel vm0, $0x2710, v1;
	_ =	sdelay $0x2  }
0x2f: {  	v2 =	vsel vm0, $0x2710, v2  }
0x30: {  	[tilespmem:s17+$0x5020] =	vst v2  }
0x31: {  	[tilespmem:v1+s11+$0x0] =	vst.idx.add.f32.msk $0xffff, v0  }
0x32: {  	v1 =	vld [tilespmem:s17+$0x30]  }
0x33: {  	v2 =	vld [tilespmem:s17+$0x2830];
	_ =	sdelay $0x4  }
0x34: {  	vm6 =	veq.s32 v1, v2;
	vm7 =	vgt.s32 v2, $0x270F  }
0x35: {  	vm0 =	vmor vm6, vm7  }
0x36: {  	v1 =	vsel vm0, $0x2710, v1;
	_ =	sdelay $0x2  }
0x37: {  	v2 =	vsel vm0, $0x2710, v2  }
0x38: {  	[tilespmem:s17+$0x5030] =	vst v2  }
0x39: {  	[tilespmem:v1+s11+$0x0] =	vst.idx.add.f32.msk $0xffff, v0  }
0x3a: {  	v1 =	vld [tilespmem:s17+$0x40]  }
0x3b: {  	v2 =	vld [tilespmem:s17+$0x2840];
	_ =	sdelay $0x4  }
0x3c: {  	vm8 =	veq.s32 v1, v2;
	vm9 =	vgt.s32 v2, $0x270F  }
0x3d: {  	vm0 =	vmor vm8, vm9  }
0x3e: {  	v1 =	vsel vm0, $0x2710, v1;
	_ =	sdelay $0x2  }
0x3f: {  	v2 =	vsel vm0, $0x2710, v2  }
0x40: {  	[tilespmem:s17+$0x5040] =	vst v2  }
0x41: {  	[tilespmem:v1+s11+$0x0] =	vst.idx.add.f32.msk $0xffff, v0  }
0x42: {  	v1 =	vld [tilespmem:s17+$0x50]  }
0x43: {  	v2 =	vld [tilespmem:s17+$0x2850];
	_ =	sdelay $0x4  }
0x44: {  	vm10 =	veq.s32 v1, v2;
	vm11 =	vgt.s32 v2, $0x270F  }
0x45: {  	vm0 =	vmor vm10, vm11  }
0x46: {  	v1 =	vsel vm0, $0x2710, v1;
	_ =	sdelay $0x2  }
0x47: {  	v2 =	vsel vm0, $0x2710, v2  }
0x48: {  	[tilespmem:s17+$0x5050] =	vst v2  }
0x49: {  	[tilespmem:v1+s11+$0x0] =	vst.idx.add.f32.msk $0xffff, v0  }
0x4a: {  	v1 =	vld [tilespmem:s17+$0x60]  }
0x4b: {  	v2 =	vld [tilespmem:s17+$0x2860];
	_ =	sdelay $0x4  }
0x4c: {  	vm12 =	veq.s32 v1, v2;
	vm13 =	vgt.s32 v2, $0x270F  }
0x4d: {  	vm0 =	vmor vm12, vm13  }
0x4e: {  	v1 =	vsel vm0, $0x2710, v1;
	_ =	sdelay $0x2  }
0x4f: {  	v2 =	vsel vm0, $0x2710, v2  }
0x50: {  	[tilespmem:s17+$0x5060] =	vst v2  }
0x51: {  	[tilespmem:v1+s11+$0x0] =	vst.idx.add.f32.msk $0xffff, v0  }
0x52: {  	v1 =	vld [tilespmem:s17+$0x70]  }
0x53: {  	v2 =	vld [tilespmem:s17+$0x2870];
	_ =	sdelay $0x4  }
0x54: {  	vm14 =	veq.s32 v1, v2;
	vm15 =	vgt.s32 v2, $0x270F  }
0x55: {  	vm0 =	vmor vm14, vm15  }
0x56: {  	p0 =	sne.s32 s16, $0x9E00;
	v1 =	vsel vm0, $0x2710, v1  }
.Ltmp0:
0x57: {  	_ = 	snop;
	(pc) =	sbr.rel @p0 .LBB2_2-.Ltmp0, $4  }
0x58: {  	_ = 	snop  }
0x59: {  	v2 =	vsel vm0, $0x2710, v2  }
0x5a: {  	[tilespmem:s17+$0x5070] =	vst v2  }
0x5b: {  	s16 =	sadd.s32 $0x200, s16;
	[tilespmem:v1+s11+$0x0] =	vst.idx.add.f32.msk $0xffff, v0  }
0x5c: {  	[hbm4b:s6+s12] =	stream.strided.scatter [tilespmem:s11], [sflag:$0x1], $0x2800, s13, s12, $0x38;
	[tilespmem:$0xA000] =	vst v63  }
0x5d: {  	s15 =	sadd.s32 $0x1, s15;
	_ =	swait.ge [sflag:s9], $0x2800  }
0x5e: {  	p0 =	sne.s32 s15, s8;
	[sflag:s9] =	ssyncset.done $0x0  }
.Ltmp1:
0x5f: {  	[sflag:s9] =	ssyncadd.s32 $0xFFFFD800;
	(pc) =	sbr.rel @p0 .LBB2_1-.Ltmp1, $4  }
0x60: {  	[hbm4b:s7+s2] =	stream.linear.scatter [tilespmem:s14], [sflag:$0x1], $0x2800, $0x38;
	[tilespmem:$0xA000] =	vst v63  }
0x61: {  	_ =	swait.ge [sflag:s9], $0x2800  }
0x62: {  	[sflag:s9] =	ssyncset.done $0x0  }
0x63: {  	[sflag:s9] =	ssyncadd.s32 $0xFFFFD800  }
0x64: {  	_ =	sfence.sel $0x180000  }
0x65: {  	[bflag:$0x0] =	sbarrier.arrive $0xFFFF  }
0x66: {  	p0 =	sne.s32 s1, $0x0;
	_ =	strace $0x90000047  }
0x67: {  	s0 =	sadd.s32 @!p0 $0x100000, s0;
	[bflag:$0x2] =	sbarrier.arrive $0xFFFF  }
0x68: {  	[sflag:s0] =	ssyncadd.tile.s32 @!p0 $0x1;
	_ =	shalt  }
.Lfunc_end2:
_tile_overlayer_lowered:
.L_overlay_start_2:
0x69: {  	(tag) =	ssettag $0x2  }
0x6a: {  	s0 =	rddreg [dreg:$0x0];
	s2 =	stileid.u32  }
0x6b: {  	s1 =	rddreg [dreg:$0x1];
	p0 =	sne.s32 s2, $0x0  }
0x6c: {  	s3 =	rddreg [dreg:$0x2];
	[bflag:$0x3] =	sbarrier.arrive $0xFFFF;
	s2 =	simm.s32 @!p0 $0x1C01  }
0x6d: {  	[timem:s3], [sflag:s2] =	dma.local @!p0 [hbm:s0], s1  }
0x6e: {  	s0 =	simm.s32 @!p0 $0x1  }
0x6f: {  	_ =	swait.ge @!p0 [sflag:s0], s1  }
0x70: {  	s1 =	ssub.s32 @!p0 $0x0, s1;
	[sflag:s0] =	ssyncset.done @!p0 $0x0  }
0x71: {  	[sflag:s0] =	ssyncadd.s32 @!p0 s1  }
0x72: {  	[bflag:$0x3] =	sbarrier.arrive $0xFFFF  }
0x73: {  	_ =	shalt  }

</sc_bundles>
